<compile_context>
chip_gen: v7x
topology: tpu7x:2x2x1
jax: 0.10.2.dev20260603
libtpu: 0.0.44.dev20260713+nightly
codegen_flags: <defaults>
</compile_context>

<pallas_src>
import functools

import jax
import jax.numpy as jnp
from jax import lax
from jax.experimental import pallas as pl
from jax.experimental.pallas import tpu as pltpu
from jax.experimental.pallas import tpu_sc as plsc

_N = 10000
_E = 160000
_H = 256
_GATE = 7
_GH = 512

_NT = 16
_NP = 10240
_ECA = 10240
_ECT = _E - 15 * _ECA
_NPT = _NP // _NT
_L = 16


def _rsqrt16(d):
    i = plsc.bitcast(d, jnp.int32)
    i = jnp.int32(0x5F3759DF) - (i >> 1)
    y = plsc.bitcast(i, jnp.float32)
    for _ in range(3):
        y = y * (jnp.float32(1.5) - jnp.float32(0.5) * d * y * y)
    return y


def _edge_body(ei_hbm, c_hbm, od_hbm,
               ei_v, src_v, dst_v, w_v, loc_v,
               indeg_sh, outdeg_sh, c_sh):
    tid = lax.axis_index("s")
    nbase = tid * _NPT

    @pl.when(tid < _NT - 1)
    def _():
        pltpu.sync_copy(ei_hbm.at[:, pl.ds(tid * _ECA, _ECA)], ei_v)

    @pl.when(tid == _NT - 1)
    def _():
        pltpu.sync_copy(ei_hbm.at[:, pl.ds((_NT - 1) * _ECA, _ECT)],
                        ei_v.at[:, pl.ds(0, _ECT)])

    @plsc.parallel_loop(0, _ECA // _L, unroll=4)
    def _(i):
        src_v[pl.ds(i * _L, _L)] = ei_v[0, pl.ds(i * _L, _L)]
        dst_v[pl.ds(i * _L, _L)] = ei_v[1, pl.ds(i * _L, _L)]
        w_v[pl.ds(i * _L, _L)] = jnp.ones((_L,), jnp.float32)

    @pl.when(tid == _NT - 1)
    def _():
        @plsc.parallel_loop(0, (_ECA - _ECT) // _L, unroll=8)
        def _(i):
            src_v[pl.ds(_ECT + i * _L, _L)] = jnp.full((_L,), -1, jnp.int32)
            dst_v[pl.ds(_ECT + i * _L, _L)] = jnp.full((_L,), -1, jnp.int32)

    src_idx = plsc.Indices(src_v, ignored_value=-1)
    dst_idx = plsc.Indices(dst_v, ignored_value=-1)

    @plsc.parallel_loop(0, _NPT // _L, unroll=8)
    def _(i):
        loc_v[pl.ds(i * _L, _L)] = jnp.zeros((_L,), jnp.float32)

    pltpu.sync_copy(loc_v.at[pl.ds(0, _NPT)], indeg_sh.at[pl.ds(nbase, _NPT)])
    pltpu.sync_copy(loc_v.at[pl.ds(0, _NPT)], outdeg_sh.at[pl.ds(nbase, _NPT)])
    pltpu.sync_copy(loc_v.at[pl.ds(0, _NPT)], c_sh.at[pl.ds(nbase, _NPT)])

    plsc.subcore_barrier()

    pltpu.sync_copy(w_v, indeg_sh.at[dst_idx], add=True)
    pltpu.sync_copy(w_v, outdeg_sh.at[src_idx], add=True)
    plsc.subcore_barrier()

    pltpu.sync_copy(outdeg_sh.at[pl.ds(nbase, _NPT)],
                    od_hbm.at[0, pl.ds(nbase, _NPT)])

    pltpu.sync_copy(indeg_sh.at[pl.ds(nbase, _NPT)], loc_v.at[pl.ds(0, _NPT)])

    @plsc.parallel_loop(0, _NPT // _L, unroll=8)
    def _(i):
        d = loc_v[pl.ds(i * _L, _L)]
        loc_v[pl.ds(i * _L, _L)] = _rsqrt16(jnp.maximum(d, 1.0))

    pltpu.sync_copy(loc_v.at[pl.ds(0, _NPT)], indeg_sh.at[pl.ds(nbase, _NPT)])
    plsc.subcore_barrier()

    pltpu.sync_copy(indeg_sh.at[dst_idx], w_v)
    pltpu.sync_copy(w_v, c_sh.at[src_idx], add=True)
    plsc.subcore_barrier()

    pltpu.sync_copy(c_sh.at[pl.ds(nbase, _NPT)],
                    c_hbm.at[0, pl.ds(nbase, _NPT)])


_edge_kernel = functools.partial(
    pl.kernel,
    mesh=plsc.VectorSubcoreMesh(
        core_axis_name="c", subcore_axis_name="s", num_cores=1),
    compiler_params=pltpu.CompilerParams(needs_layout_passes=False),
    out_type=[jax.ShapeDtypeStruct((1, _NP), jnp.float32),
              jax.ShapeDtypeStruct((1, _NP), jnp.float32)],
    scratch_types=[
        pltpu.VMEM((2, _ECA), jnp.int32),
        pltpu.VMEM((_ECA,), jnp.int32),
        pltpu.VMEM((_ECA,), jnp.int32),
        pltpu.VMEM((_ECA,), jnp.float32),
        pltpu.VMEM((_NPT,), jnp.float32),
        pltpu.VMEM_SHARED((_NP,), jnp.float32),
        pltpu.VMEM_SHARED((_NP,), jnp.float32),
        pltpu.VMEM_SHARED((_NP,), jnp.float32),
    ],
)(_edge_body)


_BM = 2048


def _h_body(x_ref, wg_ref, bg_ref, ht_ref):
    i = pl.program_id(0)
    z = jnp.dot(x_ref[...], wg_ref[...],
                preferred_element_type=jnp.float32) + bg_ref[...]
    h = jax.nn.sigmoid(z)
    row = lax.broadcasted_iota(jnp.int32, (_BM, 1), 0) + i * _BM
    h = jnp.where(row < _N, h, 0.0)
    ht_ref[...] = jnp.swapaxes(h, 0, 1)


def _h_call(x, wg, bg):
    return pl.pallas_call(
        _h_body,
        grid=(_NP // _BM,),
        in_specs=[
            pl.BlockSpec((_BM, _H), lambda i: (i, 0)),
            pl.BlockSpec((_H, _GATE), lambda i: (0, 0)),
            pl.BlockSpec((1, _GATE), lambda i: (0, 0)),
        ],
        out_specs=pl.BlockSpec((_GATE, _BM), lambda i: (0, i)),
        out_shape=jax.ShapeDtypeStruct((_GATE, _NP), jnp.float32),
    )(x, wg, bg)


def _final_body(ht_ref, c_ref, od_ref, wc_ref, bc_ref, out_ref):
    coef = lax.rsqrt(jnp.maximum(od_ref[...], 1.0)) * c_ref[...]
    p = ht_ref[...] * coef
    s = jnp.sum(p, axis=1, keepdims=True) * jnp.float32(1.0 / _N)
    acc = bc_ref[...]
    for j in range(_GATE):
        acc = acc + s[j:j + 1, 0:1] * wc_ref[j:j + 1, :]
    out_ref[...] = acc


def _final_call(ht, c, od, wc, bc):
    return pl.pallas_call(
        _final_body,
        in_specs=[
            pl.BlockSpec((_GATE, _NP), lambda: (0, 0)),
            pl.BlockSpec((1, _NP), lambda: (0, 0)),
            pl.BlockSpec((1, _NP), lambda: (0, 0)),
            pl.BlockSpec((_GATE, _GH), lambda: (0, 0)),
            pl.BlockSpec((1, _GH), lambda: (0, 0)),
        ],
        out_specs=pl.BlockSpec((1, _GH), lambda: (0, 0)),
        out_shape=jax.ShapeDtypeStruct((1, _GH), jnp.float32),
    )(ht, c, od, wc, bc)


def kernel(x, edge_index, W_gate, b_gate, W_conv, b_conv):
    ht = _h_call(x, W_gate, b_gate.reshape(1, _GATE))
    c_row, od_row = _edge_kernel(edge_index)
    return _final_call(ht, c_row, od_row, W_conv, b_conv.reshape(1, _GH))

# --- scband reference (transcript-rebuilt; emitter-appended) ---
"""Pipeline reference for scband-graph-embed-68908455297281 (READ-ONLY COPY).

The authoritative reference and input builder live on the scoring server;
editing this copy changes nothing except your own understanding.
"""

import jax, jax.numpy as jnp
import numpy as np

N = 10000
E = 160000
H = 256          # node_hidden_size
GH = 2 * H       # graph_hidden_size = 512
GATE = 7


def setup_inputs(seed: int = 0) -> dict:
    key = jax.random.key(seed)
    k1, k2, k3, k4, k5, k6 = jax.random.split(key, 6)
    x = jax.random.normal(k1, (N, H), dtype=jnp.float32)
    edge_index = jax.random.randint(k2, (2, E), 0, N, dtype=jnp.int32)
    # _new_node_gating: nn.Linear(H, 7)  (stored as [in, out] for jnp matmul)
    W_gate = jax.random.normal(k3, (H, GATE), dtype=jnp.float32) / np.sqrt(H)
    b_gate = jax.random.normal(k4, (GATE,), dtype=jnp.float32) * 0.01
    # GraphConv(7, GH): weight [in, out], bias [out]
    W_conv = jax.random.normal(k5, (GATE, GH), dtype=jnp.float32) / np.sqrt(GATE)
    b_conv = jax.random.normal(k6, (GH,), dtype=jnp.float32) * 0.01
    return {"x": x, "edge_index": edge_index, "W_gate": W_gate, "b_gate": b_gate,
            "W_conv": W_conv, "b_conv": b_conv}


def reference(x, edge_index, W_gate, b_gate, W_conv, b_conv):
    # hvs = node features; gated = sigmoid(Linear(H, 7)(hvs))
    h = jax.nn.sigmoid(x @ W_gate + b_gate)                      # [N, 7]
    src = edge_index[0]
    dst = edge_index[1]
    # DGL GraphConv norm='both': symmetric normalization with degree clamp(min=1)
    ones = jnp.ones((E,), dtype=jnp.float32)
    out_deg = jnp.zeros((N,), dtype=jnp.float32).at[src].add(ones)
    in_deg = jnp.zeros((N,), dtype=jnp.float32).at[dst].add(ones)
    out_deg = jnp.clip(out_deg, 1.0, None)
    in_deg = jnp.clip(in_deg, 1.0, None)
    h = h * (out_deg ** -0.5)[:, None]                           # scale by src norm
    msg = jnp.take(h, src, axis=0)                               # gather over edges [E, 7]
    agg = jax.ops.segment_sum(msg, dst, num_segments=N)          # scatter-add [N, 7]
    agg = agg * (in_deg ** -0.5)[:, None]                        # scale by dst norm
    # in_feats(7) <= out_feats(512): DGL aggregates first, then applies weight
    rst = agg @ W_conv + b_conv                                  # [N, GH]
    return rst.mean(axis=0, keepdims=True)                       # [1, GH]

if __name__ == "__main__":
    import jax
    _d = setup_inputs()
    print(jax.jit(kernel)(*tuple(_d.values())))

</pallas_src>

<mosaic_0001>
#map = affine_map<(d0, d1) -> (0, 0)>
module attributes {stable_mosaic.version = 14 : i64} {
  func.func @_edge_body(%arg0: i32, %arg1: i32, %arg2: memref<2x160000xi32, #tpu.memory_space<hbm>>, %arg3: memref<1x10240xf32, #tpu.memory_space<hbm>>, %arg4: memref<1x10240xf32, #tpu.memory_space<hbm>>, %arg5: memref<2x10240xi32, #tpu.memory_space<vmem>>, %arg6: memref<10240xi32, #tpu.memory_space<vmem>>, %arg7: memref<10240xi32, #tpu.memory_space<vmem>>, %arg8: memref<10240xf32, #tpu.memory_space<vmem>>, %arg9: memref<640xf32, #tpu.memory_space<vmem>>, %arg10: memref<10240xf32, #tpu.memory_space<vmem_shared>>, %arg11: memref<10240xf32, #tpu.memory_space<vmem_shared>>, %arg12: memref<10240xf32, #tpu.memory_space<vmem_shared>>) attributes {dimension_semantics = [#tpu.dimension_semantics<core_parallel>, #tpu.dimension_semantics<subcore_parallel>], iteration_bounds = array<i64: 1, 16>, scalar_prefetch = 0 : i64, scratch_operands = 8 : i64, tpu.core_type = #tpu.core_type<sc_vector_subcore>, window_params = [{transform_indices = #map}, {transform_indices = #map}, {transform_indices = #map}]} {
    %mul3A = arith.constant 640 : i32
    %mul3A_0 = arith.muli %arg1, %mul3A : i32
    %lt3A = arith.constant 15 : i32
    %lt3A_1 = arith.cmpi slt, %arg1, %lt3A : i32
    %convert_element_type3A = arith.extui %lt3A_1 : i1 to i32
    %cond3A = arith.constant 0 : i32
    %cond3A_2 = arith.cmpi ne, %convert_element_type3A, %cond3A : i32
    scf.if %cond3A_2 {
      %mul3A_24 = arith.constant 10240 : i32
      %mul3A_25 = arith.muli %arg1, %mul3A_24 : i32
      "tpu.region"() ({
        %run_scoped3A_26 = tpu.sem_alloc : memref<!tpu.dma_semaphore, #tpu.memory_space<semaphore_mem>>
        %dma_start3A = arith.constant 0 : i32
        %dma_start3A_27 = tpu.memref_slice %arg2[%dma_start3A, %mul3A_25] : memref<2x160000xi32, #tpu.memory_space<hbm>> -> memref<2x10240xi32, #tpu.memory_space<hbm>>
        %dma_start3A_28 = arith.constant 0 : i32
        %dma_start3A_29 = tpu.memref_slice %arg2[%dma_start3A_28, %mul3A_25] : memref<2x160000xi32, #tpu.memory_space<hbm>> -> memref<2x10240xi32, #tpu.memory_space<hbm>>
        tpu.enqueue_dma source(%dma_start3A_29 : memref<2x10240xi32, #tpu.memory_space<hbm>>) target(%arg5 : memref<2x10240xi32, #tpu.memory_space<vmem>>) target_semaphore(%run_scoped3A_26 : memref<!tpu.dma_semaphore, #tpu.memory_space<semaphore_mem>>)
        %dma_wait3A = arith.constant 0 : i32
        %dma_wait3A_30 = tpu.memref_slice %arg2[%dma_wait3A, %mul3A_25] : memref<2x160000xi32, #tpu.memory_space<hbm>> -> memref<2x10240xi32, #tpu.memory_space<hbm>>
        %dma_wait3A_31 = arith.constant 0 : i32
        %dma_wait3A_32 = tpu.memref_slice %arg2[%dma_wait3A_31, %mul3A_25] : memref<2x160000xi32, #tpu.memory_space<hbm>> -> memref<2x10240xi32, #tpu.memory_space<hbm>>
        tpu.wait_dma2 semaphore(%run_scoped3A_26 : memref<!tpu.dma_semaphore, #tpu.memory_space<semaphore_mem>>) src(%dma_wait3A_32 : memref<2x10240xi32, #tpu.memory_space<hbm>>) dst(%arg5 : memref<2x10240xi32, #tpu.memory_space<vmem>>)
        tpu.yield
      }) : () -> ()
    } else {
    }
    %eq3A = arith.constant 15 : i32
    %eq3A_3 = arith.cmpi eq, %arg1, %eq3A : i32
    %convert_element_type3A_4 = arith.extui %eq3A_3 : i1 to i32
    %cond3A_5 = arith.constant 0 : i32
    %cond3A_6 = arith.cmpi ne, %convert_element_type3A_4, %cond3A_5 : i32
    scf.if %cond3A_6 {
      "tpu.region"() ({
        %run_scoped3A_24 = tpu.sem_alloc : memref<!tpu.dma_semaphore, #tpu.memory_space<semaphore_mem>>
        %dma_start3A = arith.constant 0 : i32
        %dma_start3A_25 = arith.constant 0 : i32
        %dma_start3A_26 = tpu.memref_slice %arg5[%dma_start3A, %dma_start3A_25] : memref<2x10240xi32, #tpu.memory_space<vmem>> -> memref<2x6400xi32, #tpu.memory_space<vmem>>
        %dma_start3A_27 = arith.constant 0 : i32
        %dma_start3A_28 = arith.constant 153600 : i32
        %dma_start3A_29 = tpu.memref_slice %arg2[%dma_start3A_27, %dma_start3A_28] : memref<2x160000xi32, #tpu.memory_space<hbm>> -> memref<2x6400xi32, #tpu.memory_space<hbm>>
        %dma_start3A_30 = arith.constant 0 : i32
        %dma_start3A_31 = arith.constant 0 : i32
        %dma_start3A_32 = tpu.memref_slice %arg5[%dma_start3A_30, %dma_start3A_31] : memref<2x10240xi32, #tpu.memory_space<vmem>> -> memref<2x6400xi32, #tpu.memory_space<vmem>>
        %dma_start3A_33 = arith.constant 0 : i32
        %dma_start3A_34 = arith.constant 153600 : i32
        %dma_start3A_35 = tpu.memref_slice %arg2[%dma_start3A_33, %dma_start3A_34] : memref<2x160000xi32, #tpu.memory_space<hbm>> -> memref<2x6400xi32, #tpu.memory_space<hbm>>
        tpu.enqueue_dma source(%dma_start3A_35 : memref<2x6400xi32, #tpu.memory_space<hbm>>) target(%dma_start3A_32 : memref<2x6400xi32, #tpu.memory_space<vmem>>) target_semaphore(%run_scoped3A_24 : memref<!tpu.dma_semaphore, #tpu.memory_space<semaphore_mem>>)
        %dma_wait3A = arith.constant 0 : i32
        %dma_wait3A_36 = arith.constant 0 : i32
        %dma_wait3A_37 = tpu.memref_slice %arg5[%dma_wait3A, %dma_wait3A_36] : memref<2x10240xi32, #tpu.memory_space<vmem>> -> memref<2x6400xi32, #tpu.memory_space<vmem>>
        %dma_wait3A_38 = arith.constant 0 : i32
        %dma_wait3A_39 = arith.constant 153600 : i32
        %dma_wait3A_40 = tpu.memref_slice %arg2[%dma_wait3A_38, %dma_wait3A_39] : memref<2x160000xi32, #tpu.memory_space<hbm>> -> memref<2x6400xi32, #tpu.memory_space<hbm>>
        %dma_wait3A_41 = arith.constant 0 : i32
        %dma_wait3A_42 = arith.constant 0 : i32
        %dma_wait3A_43 = tpu.memref_slice %arg5[%dma_wait3A_41, %dma_wait3A_42] : memref<2x10240xi32, #tpu.memory_space<vmem>> -> memref<2x6400xi32, #tpu.memory_space<vmem>>
        %dma_wait3A_44 = arith.constant 0 : i32
        %dma_wait3A_45 = arith.constant 153600 : i32
        %dma_wait3A_46 = tpu.memref_slice %arg2[%dma_wait3A_44, %dma_wait3A_45] : memref<2x160000xi32, #tpu.memory_space<hbm>> -> memref<2x6400xi32, #tpu.memory_space<hbm>>
        tpu.wait_dma2 semaphore(%run_scoped3A_24 : memref<!tpu.dma_semaphore, #tpu.memory_space<semaphore_mem>>) src(%dma_wait3A_46 : memref<2x6400xi32, #tpu.memory_space<hbm>>) dst(%dma_wait3A_43 : memref<2x6400xi32, #tpu.memory_space<vmem>>)
        tpu.yield
      }) : () -> ()
    } else {
    }
    %parallel_loop3A = arith.constant 0 : i32
    %parallel_loop3A_7 = arith.constant 640 : i32
    %parallel_loop3A_8 = arith.constant 1 : i32
    scf.for %parallel_loop3A_24 = %parallel_loop3A to %parallel_loop3A_7 step %parallel_loop3A_8  : i32 {
      %parallel_loop3A_25 = arith.constant 16 : i32
      %parallel_loop3A_26 = arith.muli %parallel_loop3A_24, %parallel_loop3A_25 : i32
      %parallel_loop3A_27 = arith.constant 0 : i32
      %parallel_loop3A_28 = arith.index_cast %parallel_loop3A_27 : i32 to index
      %parallel_loop3A_29 = arith.index_cast %parallel_loop3A_26 : i32 to index
      %parallel_loop3A_30 = tpu.vector_load %arg5[%parallel_loop3A_28, %parallel_loop3A_29] {strides = array<i32>} : memref<2x10240xi32, #tpu.memory_space<vmem>>, vector<16xi32>,
      %parallel_loop3A_31 = arith.constant 16 : i32
      %parallel_loop3A_32 = arith.muli %parallel_loop3A_24, %parallel_loop3A_31 : i32
      %parallel_loop3A_33 = arith.index_cast %parallel_loop3A_32 : i32 to index
      %parallel_loop3A_34 = tpu.vector_load %arg6[%parallel_loop3A_33] {strides = array<i32>} : memref<10240xi32, #tpu.memory_space<vmem>>, vector<16xi32>,
      tpu.vector_store %arg6[%parallel_loop3A_33], %parallel_loop3A_30 {strides = array<i32>} : memref<10240xi32, #tpu.memory_space<vmem>>, vector<16xi32>,
      %parallel_loop3A_35 = arith.constant 16 : i32
      %parallel_loop3A_36 = arith.muli %parallel_loop3A_24, %parallel_loop3A_35 : i32
      %parallel_loop3A_37 = arith.constant 1 : i32
      %parallel_loop3A_38 = arith.index_cast %parallel_loop3A_37 : i32 to index
      %parallel_loop3A_39 = arith.index_cast %parallel_loop3A_36 : i32 to index
      %parallel_loop3A_40 = tpu.vector_load %arg5[%parallel_loop3A_38, %parallel_loop3A_39] {strides = array<i32>} : memref<2x10240xi32, #tpu.memory_space<vmem>>, vector<16xi32>,
      %parallel_loop3A_41 = arith.constant 16 : i32
      %parallel_loop3A_42 = arith.muli %parallel_loop3A_24, %parallel_loop3A_41 : i32
      %parallel_loop3A_43 = arith.index_cast %parallel_loop3A_42 : i32 to index
      %parallel_loop3A_44 = tpu.vector_load %arg7[%parallel_loop3A_43] {strides = array<i32>} : memref<10240xi32, #tpu.memory_space<vmem>>, vector<16xi32>,
      tpu.vector_store %arg7[%parallel_loop3A_43], %parallel_loop3A_40 {strides = array<i32>} : memref<10240xi32, #tpu.memory_space<vmem>>, vector<16xi32>,
      %parallel_loop3A_45 = arith.constant 1.000000e+00 : f32
      %parallel_loop3A_46 = vector.broadcast %parallel_loop3A_45 : f32 to vector<16xf32>
      %parallel_loop3A_47 = arith.constant 16 : i32
      %parallel_loop3A_48 = arith.muli %parallel_loop3A_24, %parallel_loop3A_47 : i32
      %parallel_loop3A_49 = arith.index_cast %parallel_loop3A_48 : i32 to index
      %parallel_loop3A_50 = tpu.vector_load %arg8[%parallel_loop3A_49] {strides = array<i32>} : memref<10240xf32, #tpu.memory_space<vmem>>, vector<16xf32>,
      tpu.vector_store %arg8[%parallel_loop3A_49], %parallel_loop3A_46 {strides = array<i32>} : memref<10240xf32, #tpu.memory_space<vmem>>, vector<16xf32>,
    } {sc.loop_unroll_factor = 4 : i64, sc.parallel_access}
    %eq3A_9 = arith.constant 15 : i32
    %eq3A_10 = arith.cmpi eq, %arg1, %eq3A_9 : i32
    %convert_element_type3A_11 = arith.extui %eq3A_10 : i1 to i32
    %cond3A_12 = arith.constant 0 : i32
    %cond3A_13 = arith.cmpi ne, %convert_element_type3A_11, %cond3A_12 : i32
    scf.if %cond3A_13 {
      %parallel_loop3A_24 = arith.constant 0 : i32
      %parallel_loop3A_25 = arith.constant 240 : i32
      %parallel_loop3A_26 = arith.constant 1 : i32
      scf.for %parallel_loop3A_27 = %parallel_loop3A_24 to %parallel_loop3A_25 step %parallel_loop3A_26  : i32 {
        %parallel_loop3A_28 = arith.constant -1 : i32
        %parallel_loop3A_29 = vector.broadcast %parallel_loop3A_28 : i32 to vector<16xi32>
        %parallel_loop3A_30 = arith.constant 16 : i32
        %parallel_loop3A_31 = arith.muli %parallel_loop3A_27, %parallel_loop3A_30 : i32
        %parallel_loop3A_32 = arith.constant 6400 : i32
        %parallel_loop3A_33 = arith.addi %parallel_loop3A_32, %parallel_loop3A_31 : i32
        %parallel_loop3A_34 = arith.index_cast %parallel_loop3A_33 : i32 to index
        %parallel_loop3A_35 = tpu.vector_load %arg6[%parallel_loop3A_34] {strides = array<i32>} : memref<10240xi32, #tpu.memory_space<vmem>>, vector<16xi32>,
        tpu.vector_store %arg6[%parallel_loop3A_34], %parallel_loop3A_29 {strides = array<i32>} : memref<10240xi32, #tpu.memory_space<vmem>>, vector<16xi32>,
        %parallel_loop3A_36 = arith.constant -1 : i32
        %parallel_loop3A_37 = vector.broadcast %parallel_loop3A_36 : i32 to vector<16xi32>
        %parallel_loop3A_38 = arith.constant 16 : i32
        %parallel_loop3A_39 = arith.muli %parallel_loop3A_27, %parallel_loop3A_38 : i32
        %parallel_loop3A_40 = arith.constant 6400 : i32
        %parallel_loop3A_41 = arith.addi %parallel_loop3A_40, %parallel_loop3A_39 : i32
        %parallel_loop3A_42 = arith.index_cast %parallel_loop3A_41 : i32 to index
        %parallel_loop3A_43 = tpu.vector_load %arg7[%parallel_loop3A_42] {strides = array<i32>} : memref<10240xi32, #tpu.memory_space<vmem>>, vector<16xi32>,
        tpu.vector_store %arg7[%parallel_loop3A_42], %parallel_loop3A_37 {strides = array<i32>} : memref<10240xi32, #tpu.memory_space<vmem>>, vector<16xi32>,
      } {sc.loop_unroll_factor = 8 : i64, sc.parallel_access}
    } else {
    }
    %parallel_loop3A_14 = arith.constant 0 : i32
    %parallel_loop3A_15 = arith.constant 40 : i32
    %parallel_loop3A_16 = arith.constant 1 : i32
    scf.for %parallel_loop3A_24 = %parallel_loop3A_14 to %parallel_loop3A_15 step %parallel_loop3A_16  : i32 {
      %parallel_loop3A_25 = arith.constant 0.000000e+00 : f32
      %parallel_loop3A_26 = vector.broadcast %parallel_loop3A_25 : f32 to vector<16xf32>
      %parallel_loop3A_27 = arith.constant 16 : i32
      %parallel_loop3A_28 = arith.muli %parallel_loop3A_24, %parallel_loop3A_27 : i32
      %parallel_loop3A_29 = arith.index_cast %parallel_loop3A_28 : i32 to index
      %parallel_loop3A_30 = tpu.vector_load %arg9[%parallel_loop3A_29] {strides = array<i32>} : memref<640xf32, #tpu.memory_space<vmem>>, vector<16xf32>,
      tpu.vector_store %arg9[%parallel_loop3A_29], %parallel_loop3A_26 {strides = array<i32>} : memref<640xf32, #tpu.memory_space<vmem>>, vector<16xf32>,
    } {sc.loop_unroll_factor = 8 : i64, sc.parallel_access}
    "tpu.region"() ({
      %run_scoped3A_24 = tpu.sem_alloc : memref<!tpu.dma_semaphore, #tpu.memory_space<semaphore_mem>>
      %dma_start3A = arith.constant 0 : i32
      %dma_start3A_25 = tpu.memref_slice %arg9[%dma_start3A] : memref<640xf32, #tpu.memory_space<vmem>> -> memref<640xf32, #tpu.memory_space<vmem>>
      %dma_start3A_26 = tpu.memref_slice %arg10[%mul3A_0] : memref<10240xf32, #tpu.memory_space<vmem_shared>> -> memref<640xf32, #tpu.memory_space<vmem_shared>>
      %dma_start3A_27 = tpu.memref_slice %arg10[%mul3A_0] : memref<10240xf32, #tpu.memory_space<vmem_shared>> -> memref<640xf32, #tpu.memory_space<vmem_shared>>
      %dma_start3A_28 = arith.constant 0 : i32
      %dma_start3A_29 = tpu.memref_slice %arg9[%dma_start3A_28] : memref<640xf32, #tpu.memory_space<vmem>> -> memref<640xf32, #tpu.memory_space<vmem>>
      tpu.enqueue_dma source(%dma_start3A_29 : memref<640xf32, #tpu.memory_space<vmem>>) target(%dma_start3A_27 : memref<640xf32, #tpu.memory_space<vmem_shared>>) target_semaphore(%run_scoped3A_24 : memref<!tpu.dma_semaphore, #tpu.memory_space<semaphore_mem>>)
      %dma_wait3A = arith.constant 0 : i32
      %dma_wait3A_30 = tpu.memref_slice %arg9[%dma_wait3A] : memref<640xf32, #tpu.memory_space<vmem>> -> memref<640xf32, #tpu.memory_space<vmem>>
      %dma_wait3A_31 = tpu.memref_slice %arg10[%mul3A_0] : memref<10240xf32, #tpu.memory_space<vmem_shared>> -> memref<640xf32, #tpu.memory_space<vmem_shared>>
      %dma_wait3A_32 = tpu.memref_slice %arg10[%mul3A_0] : memref<10240xf32, #tpu.memory_space<vmem_shared>> -> memref<640xf32, #tpu.memory_space<vmem_shared>>
      %dma_wait3A_33 = arith.constant 0 : i32
      %dma_wait3A_34 = tpu.memref_slice %arg9[%dma_wait3A_33] : memref<640xf32, #tpu.memory_space<vmem>> -> memref<640xf32, #tpu.memory_space<vmem>>
      tpu.wait_dma2 semaphore(%run_scoped3A_24 : memref<!tpu.dma_semaphore, #tpu.memory_space<semaphore_mem>>) src(%dma_wait3A_34 : memref<640xf32, #tpu.memory_space<vmem>>) dst(%dma_wait3A_32 : memref<640xf32, #tpu.memory_space<vmem_shared>>)
      tpu.yield
    }) : () -> ()
    "tpu.region"() ({
      %run_scoped3A_24 = tpu.sem_alloc : memref<!tpu.dma_semaphore, #tpu.memory_space<semaphore_mem>>
      %dma_start3A = arith.constant 0 : i32
      %dma_start3A_25 = tpu.memref_slice %arg9[%dma_start3A] : memref<640xf32, #tpu.memory_space<vmem>> -> memref<640xf32, #tpu.memory_space<vmem>>
      %dma_start3A_26 = tpu.memref_slice %arg11[%mul3A_0] : memref<10240xf32, #tpu.memory_space<vmem_shared>> -> memref<640xf32, #tpu.memory_space<vmem_shared>>
      %dma_start3A_27 = tpu.memref_slice %arg11[%mul3A_0] : memref<10240xf32, #tpu.memory_space<vmem_shared>> -> memref<640xf32, #tpu.memory_space<vmem_shared>>
      %dma_start3A_28 = arith.constant 0 : i32
      %dma_start3A_29 = tpu.memref_slice %arg9[%dma_start3A_28] : memref<640xf32, #tpu.memory_space<vmem>> -> memref<640xf32, #tpu.memory_space<vmem>>
      tpu.enqueue_dma source(%dma_start3A_29 : memref<640xf32, #tpu.memory_space<vmem>>) target(%dma_start3A_27 : memref<640xf32, #tpu.memory_space<vmem_shared>>) target_semaphore(%run_scoped3A_24 : memref<!tpu.dma_semaphore, #tpu.memory_space<semaphore_mem>>)
      %dma_wait3A = arith.constant 0 : i32
      %dma_wait3A_30 = tpu.memref_slice %arg9[%dma_wait3A] : memref<640xf32, #tpu.memory_space<vmem>> -> memref<640xf32, #tpu.memory_space<vmem>>
      %dma_wait3A_31 = tpu.memref_slice %arg11[%mul3A_0] : memref<10240xf32, #tpu.memory_space<vmem_shared>> -> memref<640xf32, #tpu.memory_space<vmem_shared>>
      %dma_wait3A_32 = tpu.memref_slice %arg11[%mul3A_0] : memref<10240xf32, #tpu.memory_space<vmem_shared>> -> memref<640xf32, #tpu.memory_space<vmem_shared>>
      %dma_wait3A_33 = arith.constant 0 : i32
      %dma_wait3A_34 = tpu.memref_slice %arg9[%dma_wait3A_33] : memref<640xf32, #tpu.memory_space<vmem>> -> memref<640xf32, #tpu.memory_space<vmem>>
      tpu.wait_dma2 semaphore(%run_scoped3A_24 : memref<!tpu.dma_semaphore, #tpu.memory_space<semaphore_mem>>) src(%dma_wait3A_34 : memref<640xf32, #tpu.memory_space<vmem>>) dst(%dma_wait3A_32 : memref<640xf32, #tpu.memory_space<vmem_shared>>)
      tpu.yield
    }) : () -> ()
    "tpu.region"() ({
      %run_scoped3A_24 = tpu.sem_alloc : memref<!tpu.dma_semaphore, #tpu.memory_space<semaphore_mem>>
      %dma_start3A = arith.constant 0 : i32
      %dma_start3A_25 = tpu.memref_slice %arg9[%dma_start3A] : memref<640xf32, #tpu.memory_space<vmem>> -> memref<640xf32, #tpu.memory_space<vmem>>
      %dma_start3A_26 = tpu.memref_slice %arg12[%mul3A_0] : memref<10240xf32, #tpu.memory_space<vmem_shared>> -> memref<640xf32, #tpu.memory_space<vmem_shared>>
      %dma_start3A_27 = tpu.memref_slice %arg12[%mul3A_0] : memref<10240xf32, #tpu.memory_space<vmem_shared>> -> memref<640xf32, #tpu.memory_space<vmem_shared>>
      %dma_start3A_28 = arith.constant 0 : i32
      %dma_start3A_29 = tpu.memref_slice %arg9[%dma_start3A_28] : memref<640xf32, #tpu.memory_space<vmem>> -> memref<640xf32, #tpu.memory_space<vmem>>
      tpu.enqueue_dma source(%dma_start3A_29 : memref<640xf32, #tpu.memory_space<vmem>>) target(%dma_start3A_27 : memref<640xf32, #tpu.memory_space<vmem_shared>>) target_semaphore(%run_scoped3A_24 : memref<!tpu.dma_semaphore, #tpu.memory_space<semaphore_mem>>)
      %dma_wait3A = arith.constant 0 : i32
      %dma_wait3A_30 = tpu.memref_slice %arg9[%dma_wait3A] : memref<640xf32, #tpu.memory_space<vmem>> -> memref<640xf32, #tpu.memory_space<vmem>>
      %dma_wait3A_31 = tpu.memref_slice %arg12[%mul3A_0] : memref<10240xf32, #tpu.memory_space<vmem_shared>> -> memref<640xf32, #tpu.memory_space<vmem_shared>>
      %dma_wait3A_32 = tpu.memref_slice %arg12[%mul3A_0] : memref<10240xf32, #tpu.memory_space<vmem_shared>> -> memref<640xf32, #tpu.memory_space<vmem_shared>>
      %dma_wait3A_33 = arith.constant 0 : i32
      %dma_wait3A_34 = tpu.memref_slice %arg9[%dma_wait3A_33] : memref<640xf32, #tpu.memory_space<vmem>> -> memref<640xf32, #tpu.memory_space<vmem>>
      tpu.wait_dma2 semaphore(%run_scoped3A_24 : memref<!tpu.dma_semaphore, #tpu.memory_space<semaphore_mem>>) src(%dma_wait3A_34 : memref<640xf32, #tpu.memory_space<vmem>>) dst(%dma_wait3A_32 : memref<640xf32, #tpu.memory_space<vmem_shared>>)
      tpu.yield
    }) : () -> ()
    %barrier3A = arith.constant 0 : index
    tpu.barrier barrier_id(%barrier3A)
    "tpu.region"() ({
      %run_scoped3A_24 = tpu.sem_alloc : memref<!tpu.dma_semaphore, #tpu.memory_space<semaphore_mem>>
      %dma_start3A = arith.constant 0 : i32
      %dma_start3A_25 = tpu.memref_slice %arg10[%dma_start3A] : memref<10240xf32, #tpu.memory_space<vmem_shared>> -> memref<10240xf32, #tpu.memory_space<vmem_shared>>
      %dma_start3A_26 = arith.constant -1 : i32
      tpu.enqueue_indirect_dma source(%arg8 : memref<10240xf32, #tpu.memory_space<vmem>>) target(%dma_start3A_25 : memref<10240xf32, #tpu.memory_space<vmem_shared>>) offsets(%arg7 : memref<10240xi32, #tpu.memory_space<vmem>>) offset_filter(%dma_start3A_26) semaphore(%run_scoped3A_24 : memref<!tpu.dma_semaphore, #tpu.memory_space<semaphore_mem>>) {add = true}
      %dma_wait3A = arith.constant 0 : i32
      %dma_wait3A_27 = tpu.memref_slice %arg10[%dma_wait3A] : memref<10240xf32, #tpu.memory_space<vmem_shared>> -> memref<10240xf32, #tpu.memory_space<vmem_shared>>
      tpu.wait_indirect_dma semaphore(%run_scoped3A_24 : memref<!tpu.dma_semaphore, #tpu.memory_space<semaphore_mem>>) src(%arg8 : memref<10240xf32, #tpu.memory_space<vmem>>) dst(%dma_wait3A_27 : memref<10240xf32, #tpu.memory_space<vmem_shared>>)
      tpu.yield
    }) : () -> ()
    "tpu.region"() ({
      %run_scoped3A_24 = tpu.sem_alloc : memref<!tpu.dma_semaphore, #tpu.memory_space<semaphore_mem>>
      %dma_start3A = arith.constant 0 : i32
      %dma_start3A_25 = tpu.memref_slice %arg11[%dma_start3A] : memref<10240xf32, #tpu.memory_space<vmem_shared>> -> memref<10240xf32, #tpu.memory_space<vmem_shared>>
      %dma_start3A_26 = arith.constant -1 : i32
      tpu.enqueue_indirect_dma source(%arg8 : memref<10240xf32, #tpu.memory_space<vmem>>) target(%dma_start3A_25 : memref<10240xf32, #tpu.memory_space<vmem_shared>>) offsets(%arg6 : memref<10240xi32, #tpu.memory_space<vmem>>) offset_filter(%dma_start3A_26) semaphore(%run_scoped3A_24 : memref<!tpu.dma_semaphore, #tpu.memory_space<semaphore_mem>>) {add = true}
      %dma_wait3A = arith.constant 0 : i32
      %dma_wait3A_27 = tpu.memref_slice %arg11[%dma_wait3A] : memref<10240xf32, #tpu.memory_space<vmem_shared>> -> memref<10240xf32, #tpu.memory_space<vmem_shared>>
      tpu.wait_indirect_dma semaphore(%run_scoped3A_24 : memref<!tpu.dma_semaphore, #tpu.memory_space<semaphore_mem>>) src(%arg8 : memref<10240xf32, #tpu.memory_space<vmem>>) dst(%dma_wait3A_27 : memref<10240xf32, #tpu.memory_space<vmem_shared>>)
      tpu.yield
    }) : () -> ()
    %barrier3A_17 = arith.constant 0 : index
    tpu.barrier barrier_id(%barrier3A_17)
    %run_scoped3A = arith.constant 0 : i32
    "tpu.region"() ({
      %run_scoped3A_24 = tpu.sem_alloc : memref<!tpu.dma_semaphore, #tpu.memory_space<semaphore_mem>>
      %dma_start3A = tpu.memref_slice %arg4[%run_scoped3A, %mul3A_0] : memref<1x10240xf32, #tpu.memory_space<hbm>> -> memref<1x640xf32, #tpu.memory_space<hbm>>
      %dma_start3A_25 = tpu.memref_squeeze %dma_start3A : memref<1x640xf32, #tpu.memory_space<hbm>> -> memref<640xf32, #tpu.memory_space<hbm>>
      %dma_start3A_26 = tpu.memref_slice %arg11[%mul3A_0] : memref<10240xf32, #tpu.memory_space<vmem_shared>> -> memref<640xf32, #tpu.memory_space<vmem_shared>>
      tpu.enqueue_dma source(%dma_start3A_26 : memref<640xf32, #tpu.memory_space<vmem_shared>>) target(%dma_start3A_25 : memref<640xf32, #tpu.memory_space<hbm>>) target_semaphore(%run_scoped3A_24 : memref<!tpu.dma_semaphore, #tpu.memory_space<semaphore_mem>>)
      %dma_wait3A = tpu.memref_slice %arg4[%run_scoped3A, %mul3A_0] : memref<1x10240xf32, #tpu.memory_space<hbm>> -> memref<1x640xf32, #tpu.memory_space<hbm>>
      %dma_wait3A_27 = tpu.memref_squeeze %dma_wait3A : memref<1x640xf32, #tpu.memory_space<hbm>> -> memref<640xf32, #tpu.memory_space<hbm>>
      %dma_wait3A_28 = tpu.memref_slice %arg11[%mul3A_0] : memref<10240xf32, #tpu.memory_space<vmem_shared>> -> memref<640xf32, #tpu.memory_space<vmem_shared>>
      tpu.wait_dma2 semaphore(%run_scoped3A_24 : memref<!tpu.dma_semaphore, #tpu.memory_space<semaphore_mem>>) src(%dma_wait3A_28 : memref<640xf32, #tpu.memory_space<vmem_shared>>) dst(%dma_wait3A_27 : memref<640xf32, #tpu.memory_space<hbm>>)
      tpu.yield
    }) : () -> ()
    "tpu.region"() ({
      %run_scoped3A_24 = tpu.sem_alloc : memref<!tpu.dma_semaphore, #tpu.memory_space<semaphore_mem>>
      %dma_start3A = arith.constant 0 : i32
      %dma_start3A_25 = tpu.memref_slice %arg9[%dma_start3A] : memref<640xf32, #tpu.memory_space<vmem>> -> memref<640xf32, #tpu.memory_space<vmem>>
      %dma_start3A_26 = tpu.memref_slice %arg10[%mul3A_0] : memref<10240xf32, #tpu.memory_space<vmem_shared>> -> memref<640xf32, #tpu.memory_space<vmem_shared>>
      %dma_start3A_27 = arith.constant 0 : i32
      %dma_start3A_28 = tpu.memref_slice %arg9[%dma_start3A_27] : memref<640xf32, #tpu.memory_space<vmem>> -> memref<640xf32, #tpu.memory_space<vmem>>
      %dma_start3A_29 = tpu.memref_slice %arg10[%mul3A_0] : memref<10240xf32, #tpu.memory_space<vmem_shared>> -> memref<640xf32, #tpu.memory_space<vmem_shared>>
      tpu.enqueue_dma source(%dma_start3A_29 : memref<640xf32, #tpu.memory_space<vmem_shared>>) target(%dma_start3A_28 : memref<640xf32, #tpu.memory_space<vmem>>) target_semaphore(%run_scoped3A_24 : memref<!tpu.dma_semaphore, #tpu.memory_space<semaphore_mem>>)
      %dma_wait3A = arith.constant 0 : i32
      %dma_wait3A_30 = tpu.memref_slice %arg9[%dma_wait3A] : memref<640xf32, #tpu.memory_space<vmem>> -> memref<640xf32, #tpu.memory_space<vmem>>
      %dma_wait3A_31 = tpu.memref_slice %arg10[%mul3A_0] : memref<10240xf32, #tpu.memory_space<vmem_shared>> -> memref<640xf32, #tpu.memory_space<vmem_shared>>
      %dma_wait3A_32 = arith.constant 0 : i32
      %dma_wait3A_33 = tpu.memref_slice %arg9[%dma_wait3A_32] : memref<640xf32, #tpu.memory_space<vmem>> -> memref<640xf32, #tpu.memory_space<vmem>>
      %dma_wait3A_34 = tpu.memref_slice %arg10[%mul3A_0] : memref<10240xf32, #tpu.memory_space<vmem_shared>> -> memref<640xf32, #tpu.memory_space<vmem_shared>>
      tpu.wait_dma2 semaphore(%run_scoped3A_24 : memref<!tpu.dma_semaphore, #tpu.memory_space<semaphore_mem>>) src(%dma_wait3A_34 : memref<640xf32, #tpu.memory_space<vmem_shared>>) dst(%dma_wait3A_33 : memref<640xf32, #tpu.memory_space<vmem>>)
      tpu.yield
    }) : () -> ()
    %parallel_loop3A_18 = arith.constant 0 : i32
    %parallel_loop3A_19 = arith.constant 40 : i32
    %parallel_loop3A_20 = arith.constant 1 : i32
    scf.for %parallel_loop3A_24 = %parallel_loop3A_18 to %parallel_loop3A_19 step %parallel_loop3A_20  : i32 {
      %parallel_loop3A_25 = arith.constant 16 : i32
      %parallel_loop3A_26 = arith.muli %parallel_loop3A_24, %parallel_loop3A_25 : i32
      %parallel_loop3A_27 = arith.index_cast %parallel_loop3A_26 : i32 to index
      %parallel_loop3A_28 = tpu.vector_load %arg9[%parallel_loop3A_27] {strides = array<i32>} : memref<640xf32, #tpu.memory_space<vmem>>, vector<16xf32>,
      %parallel_loop3A_29 = arith.constant 1.000000e+00 : f32
      %parallel_loop3A_30 = vector.broadcast %parallel_loop3A_29 : f32 to vector<16xf32>
      %parallel_loop3A_31 = arith.maximumf %parallel_loop3A_28, %parallel_loop3A_30 : vector<16xf32>
      %parallel_loop3A_32 = vector.bitcast %parallel_loop3A_31 : vector<16xf32> to vector<16xi32>
      %parallel_loop3A_33 = arith.constant 1 : i32
      %parallel_loop3A_34 = vector.broadcast %parallel_loop3A_33 : i32 to vector<16xi32>
      %parallel_loop3A_35 = arith.shrsi %parallel_loop3A_32, %parallel_loop3A_34 : vector<16xi32>
      %parallel_loop3A_36 = arith.constant 1597463007 : i32
      %parallel_loop3A_37 = vector.broadcast %parallel_loop3A_36 : i32 to vector<16xi32>
      %parallel_loop3A_38 = arith.subi %parallel_loop3A_37, %parallel_loop3A_35 : vector<16xi32>
      %parallel_loop3A_39 = vector.bitcast %parallel_loop3A_38 : vector<16xi32> to vector<16xf32>
      %parallel_loop3A_40 = arith.constant 5.000000e-01 : f32
      %parallel_loop3A_41 = vector.broadcast %parallel_loop3A_40 : f32 to vector<16xf32>
      %parallel_loop3A_42 = arith.mulf %parallel_loop3A_41, %parallel_loop3A_31 : vector<16xf32>
      %parallel_loop3A_43 = arith.mulf %parallel_loop3A_42, %parallel_loop3A_39 : vector<16xf32>
      %parallel_loop3A_44 = arith.mulf %parallel_loop3A_43, %parallel_loop3A_39 : vector<16xf32>
      %parallel_loop3A_45 = arith.constant 1.500000e+00 : f32
      %parallel_loop3A_46 = vector.broadcast %parallel_loop3A_45 : f32 to vector<16xf32>
      %parallel_loop3A_47 = arith.subf %parallel_loop3A_46, %parallel_loop3A_44 : vector<16xf32>
      %parallel_loop3A_48 = arith.mulf %parallel_loop3A_39, %parallel_loop3A_47 : vector<16xf32>
      %parallel_loop3A_49 = arith.constant 5.000000e-01 : f32
      %parallel_loop3A_50 = vector.broadcast %parallel_loop3A_49 : f32 to vector<16xf32>
      %parallel_loop3A_51 = arith.mulf %parallel_loop3A_50, %parallel_loop3A_31 : vector<16xf32>
      %parallel_loop3A_52 = arith.mulf %parallel_loop3A_51, %parallel_loop3A_48 : vector<16xf32>
      %parallel_loop3A_53 = arith.mulf %parallel_loop3A_52, %parallel_loop3A_48 : vector<16xf32>
      %parallel_loop3A_54 = arith.constant 1.500000e+00 : f32
      %parallel_loop3A_55 = vector.broadcast %parallel_loop3A_54 : f32 to vector<16xf32>
      %parallel_loop3A_56 = arith.subf %parallel_loop3A_55, %parallel_loop3A_53 : vector<16xf32>
      %parallel_loop3A_57 = arith.mulf %parallel_loop3A_48, %parallel_loop3A_56 : vector<16xf32>
      %parallel_loop3A_58 = arith.constant 5.000000e-01 : f32
      %parallel_loop3A_59 = vector.broadcast %parallel_loop3A_58 : f32 to vector<16xf32>
      %parallel_loop3A_60 = arith.mulf %parallel_loop3A_59, %parallel_loop3A_31 : vector<16xf32>
      %parallel_loop3A_61 = arith.mulf %parallel_loop3A_60, %parallel_loop3A_57 : vector<16xf32>
      %parallel_loop3A_62 = arith.mulf %parallel_loop3A_61, %parallel_loop3A_57 : vector<16xf32>
      %parallel_loop3A_63 = arith.constant 1.500000e+00 : f32
      %parallel_loop3A_64 = vector.broadcast %parallel_loop3A_63 : f32 to vector<16xf32>
      %parallel_loop3A_65 = arith.subf %parallel_loop3A_64, %parallel_loop3A_62 : vector<16xf32>
      %parallel_loop3A_66 = arith.mulf %parallel_loop3A_57, %parallel_loop3A_65 : vector<16xf32>
      %parallel_loop3A_67 = arith.constant 16 : i32
      %parallel_loop3A_68 = arith.muli %parallel_loop3A_24, %parallel_loop3A_67 : i32
      %parallel_loop3A_69 = arith.index_cast %parallel_loop3A_68 : i32 to index
      %parallel_loop3A_70 = tpu.vector_load %arg9[%parallel_loop3A_69] {strides = array<i32>} : memref<640xf32, #tpu.memory_space<vmem>>, vector<16xf32>,
      tpu.vector_store %arg9[%parallel_loop3A_69], %parallel_loop3A_66 {strides = array<i32>} : memref<640xf32, #tpu.memory_space<vmem>>, vector<16xf32>,
    } {sc.loop_unroll_factor = 8 : i64, sc.parallel_access}
    "tpu.region"() ({
      %run_scoped3A_24 = tpu.sem_alloc : memref<!tpu.dma_semaphore, #tpu.memory_space<semaphore_mem>>
      %dma_start3A = arith.constant 0 : i32
      %dma_start3A_25 = tpu.memref_slice %arg9[%dma_start3A] : memref<640xf32, #tpu.memory_space<vmem>> -> memref<640xf32, #tpu.memory_space<vmem>>
      %dma_start3A_26 = tpu.memref_slice %arg10[%mul3A_0] : memref<10240xf32, #tpu.memory_space<vmem_shared>> -> memref<640xf32, #tpu.memory_space<vmem_shared>>
      %dma_start3A_27 = tpu.memref_slice %arg10[%mul3A_0] : memref<10240xf32, #tpu.memory_space<vmem_shared>> -> memref<640xf32, #tpu.memory_space<vmem_shared>>
      %dma_start3A_28 = arith.constant 0 : i32
      %dma_start3A_29 = tpu.memref_slice %arg9[%dma_start3A_28] : memref<640xf32, #tpu.memory_space<vmem>> -> memref<640xf32, #tpu.memory_space<vmem>>
      tpu.enqueue_dma source(%dma_start3A_29 : memref<640xf32, #tpu.memory_space<vmem>>) target(%dma_start3A_27 : memref<640xf32, #tpu.memory_space<vmem_shared>>) target_semaphore(%run_scoped3A_24 : memref<!tpu.dma_semaphore, #tpu.memory_space<semaphore_mem>>)
      %dma_wait3A = arith.constant 0 : i32
      %dma_wait3A_30 = tpu.memref_slice %arg9[%dma_wait3A] : memref<640xf32, #tpu.memory_space<vmem>> -> memref<640xf32, #tpu.memory_space<vmem>>
      %dma_wait3A_31 = tpu.memref_slice %arg10[%mul3A_0] : memref<10240xf32, #tpu.memory_space<vmem_shared>> -> memref<640xf32, #tpu.memory_space<vmem_shared>>
      %dma_wait3A_32 = tpu.memref_slice %arg10[%mul3A_0] : memref<10240xf32, #tpu.memory_space<vmem_shared>> -> memref<640xf32, #tpu.memory_space<vmem_shared>>
      %dma_wait3A_33 = arith.constant 0 : i32
      %dma_wait3A_34 = tpu.memref_slice %arg9[%dma_wait3A_33] : memref<640xf32, #tpu.memory_space<vmem>> -> memref<640xf32, #tpu.memory_space<vmem>>
      tpu.wait_dma2 semaphore(%run_scoped3A_24 : memref<!tpu.dma_semaphore, #tpu.memory_space<semaphore_mem>>) src(%dma_wait3A_34 : memref<640xf32, #tpu.memory_space<vmem>>) dst(%dma_wait3A_32 : memref<640xf32, #tpu.memory_space<vmem_shared>>)
      tpu.yield
    }) : () -> ()
    %barrier3A_21 = arith.constant 0 : index
    tpu.barrier barrier_id(%barrier3A_21)
    "tpu.region"() ({
      %run_scoped3A_24 = tpu.sem_alloc : memref<!tpu.dma_semaphore, #tpu.memory_space<semaphore_mem>>
      %dma_start3A = arith.constant 0 : i32
      %dma_start3A_25 = tpu.memref_slice %arg10[%dma_start3A] : memref<10240xf32, #tpu.memory_space<vmem_shared>> -> memref<10240xf32, #tpu.memory_space<vmem_shared>>
      %dma_start3A_26 = arith.constant -1 : i32
      tpu.enqueue_indirect_dma source(%dma_start3A_25 : memref<10240xf32, #tpu.memory_space<vmem_shared>>) target(%arg8 : memref<10240xf32, #tpu.memory_space<vmem>>) offsets(%arg7 : memref<10240xi32, #tpu.memory_space<vmem>>) offset_filter(%dma_start3A_26) semaphore(%run_scoped3A_24 : memref<!tpu.dma_semaphore, #tpu.memory_space<semaphore_mem>>)
      %dma_wait3A = arith.constant 0 : i32
      %dma_wait3A_27 = tpu.memref_slice %arg10[%dma_wait3A] : memref<10240xf32, #tpu.memory_space<vmem_shared>> -> memref<10240xf32, #tpu.memory_space<vmem_shared>>
      tpu.wait_indirect_dma semaphore(%run_scoped3A_24 : memref<!tpu.dma_semaphore, #tpu.memory_space<semaphore_mem>>) src(%dma_wait3A_27 : memref<10240xf32, #tpu.memory_space<vmem_shared>>) dst(%arg8 : memref<10240xf32, #tpu.memory_space<vmem>>)
      tpu.yield
    }) : () -> ()
    "tpu.region"() ({
      %run_scoped3A_24 = tpu.sem_alloc : memref<!tpu.dma_semaphore, #tpu.memory_space<semaphore_mem>>
      %dma_start3A = arith.constant 0 : i32
      %dma_start3A_25 = tpu.memref_slice %arg12[%dma_start3A] : memref<10240xf32, #tpu.memory_space<vmem_shared>> -> memref<10240xf32, #tpu.memory_space<vmem_shared>>
      %dma_start3A_26 = arith.constant -1 : i32
      tpu.enqueue_indirect_dma source(%arg8 : memref<10240xf32, #tpu.memory_space<vmem>>) target(%dma_start3A_25 : memref<10240xf32, #tpu.memory_space<vmem_shared>>) offsets(%arg6 : memref<10240xi32, #tpu.memory_space<vmem>>) offset_filter(%dma_start3A_26) semaphore(%run_scoped3A_24 : memref<!tpu.dma_semaphore, #tpu.memory_space<semaphore_mem>>) {add = true}
      %dma_wait3A = arith.constant 0 : i32
      %dma_wait3A_27 = tpu.memref_slice %arg12[%dma_wait3A] : memref<10240xf32, #tpu.memory_space<vmem_shared>> -> memref<10240xf32, #tpu.memory_space<vmem_shared>>
      tpu.wait_indirect_dma semaphore(%run_scoped3A_24 : memref<!tpu.dma_semaphore, #tpu.memory_space<semaphore_mem>>) src(%arg8 : memref<10240xf32, #tpu.memory_space<vmem>>) dst(%dma_wait3A_27 : memref<10240xf32, #tpu.memory_space<vmem_shared>>)
      tpu.yield
    }) : () -> ()
    %barrier3A_22 = arith.constant 0 : index
    tpu.barrier barrier_id(%barrier3A_22)
    %run_scoped3A_23 = arith.constant 0 : i32
    "tpu.region"() ({
      %run_scoped3A_24 = tpu.sem_alloc : memref<!tpu.dma_semaphore, #tpu.memory_space<semaphore_mem>>
      %dma_start3A = tpu.memref_slice %arg3[%run_scoped3A_23, %mul3A_0] : memref<1x10240xf32, #tpu.memory_space<hbm>> -> memref<1x640xf32, #tpu.memory_space<hbm>>
      %dma_start3A_25 = tpu.memref_squeeze %dma_start3A : memref<1x640xf32, #tpu.memory_space<hbm>> -> memref<640xf32, #tpu.memory_space<hbm>>
      %dma_start3A_26 = tpu.memref_slice %arg12[%mul3A_0] : memref<10240xf32, #tpu.memory_space<vmem_shared>> -> memref<640xf32, #tpu.memory_space<vmem_shared>>
      tpu.enqueue_dma source(%dma_start3A_26 : memref<640xf32, #tpu.memory_space<vmem_shared>>) target(%dma_start3A_25 : memref<640xf32, #tpu.memory_space<hbm>>) target_semaphore(%run_scoped3A_24 : memref<!tpu.dma_semaphore, #tpu.memory_space<semaphore_mem>>)
      %dma_wait3A = tpu.memref_slice %arg3[%run_scoped3A_23, %mul3A_0] : memref<1x10240xf32, #tpu.memory_space<hbm>> -> memref<1x640xf32, #tpu.memory_space<hbm>>
      %dma_wait3A_27 = tpu.memref_squeeze %dma_wait3A : memref<1x640xf32, #tpu.memory_space<hbm>> -> memref<640xf32, #tpu.memory_space<hbm>>
      %dma_wait3A_28 = tpu.memref_slice %arg12[%mul3A_0] : memref<10240xf32, #tpu.memory_space<vmem_shared>> -> memref<640xf32, #tpu.memory_space<vmem_shared>>
      tpu.wait_dma2 semaphore(%run_scoped3A_24 : memref<!tpu.dma_semaphore, #tpu.memory_space<semaphore_mem>>) src(%dma_wait3A_28 : memref<640xf32, #tpu.memory_space<vmem_shared>>) dst(%dma_wait3A_27 : memref<640xf32, #tpu.memory_space<hbm>>)
      tpu.yield
    }) : () -> ()
    return
  }
}

module attributes {stable_mosaic.version = 14 : i64} {
  func.func @_h_body(%arg0: i32, %arg1: memref<2048x256xf32, #tpu.memory_space<vmem>>, %arg2: memref<256x7xf32, #tpu.memory_space<vmem>>, %arg3: memref<1x7xf32, #tpu.memory_space<vmem>>, %arg4: memref<7x2048xf32, #tpu.memory_space<vmem>>) attributes {dimension_semantics = [#tpu.dimension_semantics<arbitrary>], iteration_bounds = array<i64: 5>, scalar_prefetch = 0 : i64, scratch_operands = 0 : i64, tpu.core_type = #tpu.core_type<tc>, window_params = [{transform_indices = @transform_0, window_bounds = array<i64: 2048, 256>}, {pipeline_mode = #tpu.pipeline_mode<synchronous>, transform_indices = @transform_1, window_bounds = array<i64: 256, 7>}, {pipeline_mode = #tpu.pipeline_mode<synchronous>, transform_indices = @transform_2, window_bounds = array<i64: 1, 7>}, {transform_indices = @transform_3, window_bounds = array<i64: 7, 2048>}]} {
    %get3A = arith.constant 0 : index
    %get3A_0 = arith.constant 0 : index
    %get3A_1 = vector.load %arg1[%get3A, %get3A_0] : memref<2048x256xf32, #tpu.memory_space<vmem>>, vector<2048x256xf32>
    %get3A_2 = arith.constant 0 : index
    %get3A_3 = arith.constant 0 : index
    %get3A_4 = vector.load %arg2[%get3A_2, %get3A_3] : memref<256x7xf32, #tpu.memory_space<vmem>>, vector<256x7xf32>
    %dot_general3A = arith.constant dense<0.000000e+00> : vector<2048x7xf32>
    %dot_general3A_5 = tpu.matmul %get3A_1, %get3A_4, %dot_general3A {dimension_numbers = #tpu.dot_dimension_numbers<[1], [0], [0], [1], [0, 0, 1, 1], [], []>, transpose_lhs_hint = false} : vector<2048x256xf32>, vector<256x7xf32>, vector<2048x7xf32> -> vector<2048x7xf32>
    %get3A_6 = arith.constant 0 : index
    %get3A_7 = arith.constant 0 : index
    %get3A_8 = vector.load %arg3[%get3A_6, %get3A_7] : memref<1x7xf32, #tpu.memory_space<vmem>>, vector<1x7xf32>
    %add3A = vector.broadcast %get3A_8 : vector<1x7xf32> to vector<2048x7xf32>
    %add3A_9 = arith.addf %dot_general3A_5, %add3A : vector<2048x7xf32>
    %logistic3A = arith.negf %add3A_9 : vector<2048x7xf32>
    %logistic3A_10 = math.exp %logistic3A : vector<2048x7xf32>
    %logistic3A_11 = arith.constant 1.000000e+00 : f32
    %logistic3A_12 = vector.broadcast %logistic3A_11 : f32 to vector<2048x7xf32>
    %logistic3A_13 = arith.addf %logistic3A_12, %logistic3A_10 : vector<2048x7xf32>
    %logistic3A_14 = arith.divf %logistic3A_12, %logistic3A_13 : vector<2048x7xf32>
    %iota3A = tpu.iota {dimensions = array<i32: 0>} : vector<2048x1xi32>
    %mul3A = arith.constant 2048 : i32
    %mul3A_15 = arith.muli %arg0, %mul3A : i32
    %add3A_16 = vector.broadcast %mul3A_15 : i32 to vector<2048x1xi32>
    %add3A_17 = arith.addi %iota3A, %add3A_16 : vector<2048x1xi32>
    %lt3A = arith.constant 10000 : i32
    %lt3A_18 = vector.broadcast %lt3A : i32 to vector<2048x1xi32>
    %lt3A_19 = arith.cmpi slt, %add3A_17, %lt3A_18 : vector<2048x1xi32>
    %jit3A = arith.constant 0.000000e+00 : f32
    %broadcast_in_dim3A = vector.shape_cast %lt3A_19 : vector<2048x1xi1> to vector<2048x1xi1>
    %broadcast_in_dim3A_20 = vector.broadcast %broadcast_in_dim3A : vector<2048x1xi1> to vector<2048x7xi1>
    %broadcast_in_dim3A_21 = vector.broadcast %jit3A : f32 to vector<2048x7xf32>
    %select_n3A = arith.select %broadcast_in_dim3A_20, %logistic3A_14, %broadcast_in_dim3A_21 : vector<2048x7xi1>, vector<2048x7xf32>
    %transpose3A = tpu.transpose %select_n3A, [1, 0] : vector<2048x7xf32> -> vector<7x2048xf32>
    %swap3A = arith.constant 0 : index
    %swap3A_22 = arith.constant 0 : index
    %swap3A_23 = vector.load %arg4[%swap3A, %swap3A_22] : memref<7x2048xf32, #tpu.memory_space<vmem>>, vector<7x2048xf32>
    tpu.vector_store %arg4[%swap3A, %swap3A_22], %transpose3A {strides = array<i32>} : memref<7x2048xf32, #tpu.memory_space<vmem>>, vector<7x2048xf32>,
    return
  }
  func.func @transform_0(%arg0: i32) -> (i32, i32) {
    %c0_i32 = arith.constant 0 : i32
    %c0_i32_0 = arith.constant 0 : i32
    return %arg0, %c0_i32 : i32, i32
  }
  func.func @transform_1(%arg0: i32) -> (i32, i32) {
    %c0_i32 = arith.constant 0 : i32
    %c0_i32_0 = arith.constant 0 : i32
    %c0_i32_1 = arith.constant 0 : i32
    return %c0_i32, %c0_i32_0 : i32, i32
  }
  func.func @transform_2(%arg0: i32) -> (i32, i32) {
    %c0_i32 = arith.constant 0 : i32
    %c0_i32_0 = arith.constant 0 : i32
    %c0_i32_1 = arith.constant 0 : i32
    return %c0_i32, %c0_i32_0 : i32, i32
  }
  func.func @transform_3(%arg0: i32) -> (i32, i32) {
    %c0_i32 = arith.constant 0 : i32
    %c0_i32_0 = arith.constant 0 : i32
    return %c0_i32, %arg0 : i32, i32
  }
}

module attributes {stable_mosaic.version = 14 : i64} {
  func.func @_final_body(%arg0: memref<7x10240xf32, #tpu.memory_space<vmem>>, %arg1: memref<1x10240xf32, #tpu.memory_space<vmem>>, %arg2: memref<1x10240xf32, #tpu.memory_space<vmem>>, %arg3: memref<7x512xf32, #tpu.memory_space<vmem>>, %arg4: memref<1x512xf32, #tpu.memory_space<vmem>>, %arg5: memref<1x512xf32, #tpu.memory_space<vmem>>) attributes {dimension_semantics = [], scalar_prefetch = 0 : i64, scratch_operands = 0 : i64, tpu.core_type = #tpu.core_type<tc>} {
    %get3A = arith.constant 0 : index
    %get3A_0 = arith.constant 0 : index
    %get3A_1 = vector.load %arg2[%get3A, %get3A_0] : memref<1x10240xf32, #tpu.memory_space<vmem>>, vector<1x10240xf32>
    %max3A = arith.constant 1.000000e+00 : f32
    %max3A_2 = vector.broadcast %max3A : f32 to vector<1x10240xf32>
    %max3A_3 = arith.maximumf %get3A_1, %max3A_2 : vector<1x10240xf32>
    %rsqrt3A = math.rsqrt %max3A_3 : vector<1x10240xf32>
    %get3A_4 = arith.constant 0 : index
    %get3A_5 = arith.constant 0 : index
    %get3A_6 = vector.load %arg1[%get3A_4, %get3A_5] : memref<1x10240xf32, #tpu.memory_space<vmem>>, vector<1x10240xf32>
    %mul3A = arith.mulf %rsqrt3A, %get3A_6 : vector<1x10240xf32>
    %get3A_7 = arith.constant 0 : index
    %get3A_8 = arith.constant 0 : index
    %get3A_9 = vector.load %arg0[%get3A_7, %get3A_8] : memref<7x10240xf32, #tpu.memory_space<vmem>>, vector<7x10240xf32>
    %mul3A_10 = vector.broadcast %mul3A : vector<1x10240xf32> to vector<7x10240xf32>
    %mul3A_11 = arith.mulf %get3A_9, %mul3A_10 : vector<7x10240xf32>
    %reduce_sum3A = arith.constant dense<0.000000e+00> : vector<7xf32>
    %reduce_sum3A_12 = vector.multi_reduction <add>, %mul3A_11, %reduce_sum3A [1] : vector<7x10240xf32> to vector<7xf32>
    %broadcast_in_dim3A = vector.shape_cast %reduce_sum3A_12 : vector<7xf32> to vector<7x1xf32>
    %mul3A_13 = arith.constant 9.99999974E-5 : f32
    %mul3A_14 = vector.broadcast %mul3A_13 : f32 to vector<7x1xf32>
    %mul3A_15 = arith.mulf %broadcast_in_dim3A, %mul3A_14 : vector<7x1xf32>
    %get3A_16 = arith.constant 0 : index
    %get3A_17 = arith.constant 0 : index
    %get3A_18 = vector.load %arg4[%get3A_16, %get3A_17] : memref<1x512xf32, #tpu.memory_space<vmem>>, vector<1x512xf32>
    %slice3A = vector.extract_strided_slice %mul3A_15 {offsets = [0, 0], sizes = [1, 1], strides = [1, 1]} : vector<7x1xf32> to vector<1x1xf32>
    %get3A_19 = arith.constant 0 : index
    %get3A_20 = arith.constant 0 : index
    %get3A_21 = vector.load %arg3[%get3A_19, %get3A_20] : memref<7x512xf32, #tpu.memory_space<vmem>>, vector<1x512xf32>
    %mul3A_22 = vector.broadcast %slice3A : vector<1x1xf32> to vector<1x512xf32>
    %mul3A_23 = arith.mulf %mul3A_22, %get3A_21 : vector<1x512xf32>
    %add3A = arith.addf %get3A_18, %mul3A_23 : vector<1x512xf32>
    %slice3A_24 = vector.extract_strided_slice %mul3A_15 {offsets = [1, 0], sizes = [1, 1], strides = [1, 1]} : vector<7x1xf32> to vector<1x1xf32>
    %get3A_25 = arith.constant 1 : index
    %get3A_26 = arith.constant 0 : index
    %get3A_27 = vector.load %arg3[%get3A_25, %get3A_26] : memref<7x512xf32, #tpu.memory_space<vmem>>, vector<1x512xf32>
    %mul3A_28 = vector.broadcast %slice3A_24 : vector<1x1xf32> to vector<1x512xf32>
    %mul3A_29 = arith.mulf %mul3A_28, %get3A_27 : vector<1x512xf32>
    %add3A_30 = arith.addf %add3A, %mul3A_29 : vector<1x512xf32>
    %slice3A_31 = vector.extract_strided_slice %mul3A_15 {offsets = [2, 0], sizes = [1, 1], strides = [1, 1]} : vector<7x1xf32> to vector<1x1xf32>
    %get3A_32 = arith.constant 2 : index
    %get3A_33 = arith.constant 0 : index
    %get3A_34 = vector.load %arg3[%get3A_32, %get3A_33] : memref<7x512xf32, #tpu.memory_space<vmem>>, vector<1x512xf32>
    %mul3A_35 = vector.broadcast %slice3A_31 : vector<1x1xf32> to vector<1x512xf32>
    %mul3A_36 = arith.mulf %mul3A_35, %get3A_34 : vector<1x512xf32>
    %add3A_37 = arith.addf %add3A_30, %mul3A_36 : vector<1x512xf32>
    %slice3A_38 = vector.extract_strided_slice %mul3A_15 {offsets = [3, 0], sizes = [1, 1], strides = [1, 1]} : vector<7x1xf32> to vector<1x1xf32>
    %get3A_39 = arith.constant 3 : index
    %get3A_40 = arith.constant 0 : index
    %get3A_41 = vector.load %arg3[%get3A_39, %get3A_40] : memref<7x512xf32, #tpu.memory_space<vmem>>, vector<1x512xf32>
    %mul3A_42 = vector.broadcast %slice3A_38 : vector<1x1xf32> to vector<1x512xf32>
    %mul3A_43 = arith.mulf %mul3A_42, %get3A_41 : vector<1x512xf32>
    %add3A_44 = arith.addf %add3A_37, %mul3A_43 : vector<1x512xf32>
    %slice3A_45 = vector.extract_strided_slice %mul3A_15 {offsets = [4, 0], sizes = [1, 1], strides = [1, 1]} : vector<7x1xf32> to vector<1x1xf32>
    %get3A_46 = arith.constant 4 : index
    %get3A_47 = arith.constant 0 : index
    %get3A_48 = vector.load %arg3[%get3A_46, %get3A_47] : memref<7x512xf32, #tpu.memory_space<vmem>>, vector<1x512xf32>
    %mul3A_49 = vector.broadcast %slice3A_45 : vector<1x1xf32> to vector<1x512xf32>
    %mul3A_50 = arith.mulf %mul3A_49, %get3A_48 : vector<1x512xf32>
    %add3A_51 = arith.addf %add3A_44, %mul3A_50 : vector<1x512xf32>
    %slice3A_52 = vector.extract_strided_slice %mul3A_15 {offsets = [5, 0], sizes = [1, 1], strides = [1, 1]} : vector<7x1xf32> to vector<1x1xf32>
    %get3A_53 = arith.constant 5 : index
    %get3A_54 = arith.constant 0 : index
    %get3A_55 = vector.load %arg3[%get3A_53, %get3A_54] : memref<7x512xf32, #tpu.memory_space<vmem>>, vector<1x512xf32>
    %mul3A_56 = vector.broadcast %slice3A_52 : vector<1x1xf32> to vector<1x512xf32>
    %mul3A_57 = arith.mulf %mul3A_56, %get3A_55 : vector<1x512xf32>
    %add3A_58 = arith.addf %add3A_51, %mul3A_57 : vector<1x512xf32>
    %slice3A_59 = vector.extract_strided_slice %mul3A_15 {offsets = [6, 0], sizes = [1, 1], strides = [1, 1]} : vector<7x1xf32> to vector<1x1xf32>
    %get3A_60 = arith.constant 6 : index
    %get3A_61 = arith.constant 0 : index
    %get3A_62 = vector.load %arg3[%get3A_60, %get3A_61] : memref<7x512xf32, #tpu.memory_space<vmem>>, vector<1x512xf32>
    %mul3A_63 = vector.broadcast %slice3A_59 : vector<1x1xf32> to vector<1x512xf32>
    %mul3A_64 = arith.mulf %mul3A_63, %get3A_62 : vector<1x512xf32>
    %add3A_65 = arith.addf %add3A_58, %mul3A_64 : vector<1x512xf32>
    %swap3A = arith.constant 0 : index
    %swap3A_66 = arith.constant 0 : index
    %swap3A_67 = vector.load %arg5[%swap3A, %swap3A_66] : memref<1x512xf32, #tpu.memory_space<vmem>>, vector<1x512xf32>
    tpu.vector_store %arg5[%swap3A, %swap3A_66], %add3A_65 {strides = array<i32>} : memref<1x512xf32, #tpu.memory_space<vmem>>, vector<1x512xf32>,
    return
  }
}

</mosaic_0001>

<sc_bundles>
// kernel: kernel.5.cloned.1.call-start
scs
__scs_entry_jumppad:
0x0: {  	(pc) =	sbr.rel $0x88, $3  }
0x1: {  	(tag) =	ssettag $0x0;
	lr =	simm.s32 $0x1  }
0x2: {  	[smem:$0x3F9B] =	sst lr;
	_ =	strace $0xD0000000  }
0x3: {  	_ = 	snop  }
0x4: {  	_ = 	snop  }
0x5: {  	_ = 	snop  }
0x6: {  	_ = 	snop  }
0x7: {  	_ = 	snop  }
__scs_overlays_trampoline_lowered:
0x8: {  	[smem:$0x3FAA] =	sst s0  }
0x9: {  	[smem:$0x3FAB] =	sst s1  }
0xa: {  	[smem:$0x3FAC] =	sst s2  }
0xb: {  	[smem:$0x3FAD] =	sst s3  }
0xc: {  	[smem:$0x3FAE] =	sst s4  }
0xd: {  	[smem:$0x3FAF] =	sst s5  }
0xe: {  	[smem:$0x3FB0] =	sst s6  }
0xf: {  	[smem:$0x3FB1] =	sst s7  }
0x10: {  	[smem:$0x3FB2] =	sst s8  }
0x11: {  	[smem:$0x3FB3] =	sst s9;
	s0 =	simm.s32 @!p0 $0x0  }
0x12: {  	s1 =	sld [smem:$0x3F99];
	s0 =	simm.s32 @p0 $0x1  }
0x13: {  	[smem:$0x3FB4] =	sst s0;
	s0 =	simm.s32 @!p1 $0x0  }
0x14: {  	s2 =	sld [smem:$0x3F98];
	s0 =	simm.s32 @p1 $0x1  }
0x15: {  	[smem:$0x3FB5] =	sst s0;
	s0 =	simm.s32 @!p2 $0x0  }
0x16: {  	s3 =	sld [smem:$0x3FDB];
	s0 =	simm.s32 @p2 $0x1  }
0x17: {  	s4 =	simm.s32 $0x1BF5;
	[smem:$0x3FB7] =	sst s0  }
0x18: {  	s0 =	sld [smem:$0x3F9A];
	_ =	swait.ge [sflag:s4], $0x0  }
0x19: {  	s7 =	sld [smem:$0x3F9B]  }
0x1a: {  	s8 =	sadd.s32 $0xFFFFE003, lr  }
0x1b: {  	s9 =	sadd.s32 $0xFFFFFEF7, lr;
	s5 =	simm.s32 $0xFFFFFFFF;
	p2 =	slt.u32 s8, $0xFFFFF086  }
0x1c: {  	p1 =	slt.u32 s9, $0xF7A;
	s5 =	simm.s32 @!p2 $0x0  }
0x1d: {  	s5 =	simm.s32 @p1 $0x1;
	p0 =	seq.s32 s7, s2  }
0x1e: {  	s7 =	smul.u32 @!p0 $0xF7A, s2;
	p2 =	seq.s32 @!p0 s5, $0x0  }
0x1f: {  	s9 =	smul.u32 $0xF7A, s1;
	s8 =	simm.s32 @!p0 $0x1BF5;
	p2 =	por !p2, p0  }
0x20: {  	[sflag:s8] =	ssyncset.s32 @!p0 $0xFFFFF086;
	s6 =	sadd.s32 @!p0 s3, s7;
	s7 =	simm.s32 @!p0 $0x108  }
0x21: {  	s3 =	sadd.s32 s3, s9;
	s6 =	sadd.s32 @!p0 $0x88, s6;
	s7 =	simm.s32 @p2 $0x1082  }
0x22: {  	[simem:s7], [sflag:s8] =	dma.local @!p0 [hbm:s6], $0xF7A  }
0x23: {  	s9 =	sor.u32 $0xD0000000, s2;
	s6 =	simm.s32 $0x108;
	_ =	swait.ge @!p0 [sflag:s8], $0x0  }
0x24: {  	s3 =	sadd.s32 $0x88, s3;
	s6 =	simm.s32 @!p1 $0x1082;
	[sflag:s4] =	ssyncset.s32 $0xFFFFF086  }
0x25: {  	[simem:s6], [sflag:s4] =	dma.local [hbm:s3], $0xF7A  }
0x26: {  	[smem:$0x3F9B] =	sst s1;
	(tag) =	ssettag s2;
	_ =	strace s9  }
0x27: {  	s1 =	sld [smem:$0x3FAB]  }
0x28: {  	s2 =	sld [smem:$0x3FAC]  }
0x29: {  	s4 =	sld [smem:$0x3FAE]  }
0x2a: {  	p0 =	seq.s32 s5, $0x0;
	s5 =	sld [smem:$0x3FAF]  }
0x2b: {  	s6 =	sld [smem:$0x3FB0]  }
0x2c: {  	s7 =	sld [smem:$0x3FB1]  }
0x2d: {  	s3 =	simm.s32 $0x108;
	s8 =	sld [smem:$0x3FB2]  }
0x2e: {  	s3 =	simm.s32 @!p0 $0x1082;
	s9 =	sld [smem:$0x3FB3]  }
0x2f: {  	lr =	sadd.s32 s0, s3;
	s0 =	sld [smem:$0x3FAA]  }
0x30: {  	s3 =	sld [smem:$0x3FAD]  }
0x31: {  	[smem:$0x3FB6] =	sst s10  }
0x32: {  	s10 =	sld [smem:$0x3FB4];
	_ =	sdelay $0x3  }
0x33: {  	p0 =	seq.s32 s10, $0x1;
	s10 =	sld [smem:$0x3FB6];
	_ =	sdelay $0x3  }
0x34: {  	[smem:$0x3FB6] =	sst s10  }
0x35: {  	s10 =	sld [smem:$0x3FB5];
	_ =	sdelay $0x3  }
0x36: {  	p1 =	seq.s32 s10, $0x1;
	s10 =	sld [smem:$0x3FB6];
	_ =	sdelay $0x3  }
0x37: {  	[smem:$0x3FB6] =	sst s10  }
0x38: {  	s10 =	sld [smem:$0x3FB7]  }
0x39: {  	_ = 	snop;
	(pc) =	sbr.ind lr, $3  }
0x3a: {  	_ = 	snop  }
0x3b: {  	_ = 	snop  }
0x3c: {  	p2 =	seq.s32 s10, $0x1;
	s10 =	sld [smem:$0x3FB6]  }
0x3d: {  	_ =	shalt  }
0x3e: {  	_ =	shalt  }
0x3f: {  	_ =	shalt  }
0x40: {  	_ =	shalt  }
0x41: {  	_ =	shalt  }
0x42: {  	_ =	shalt  }
0x43: {  	_ =	shalt  }
0x44: {  	_ =	shalt  }
0x45: {  	_ =	shalt  }
0x46: {  	_ =	shalt  }
0x47: {  	_ =	shalt  }
0x48: {  	_ =	shalt  }
0x49: {  	_ =	shalt  }
0x4a: {  	_ =	shalt  }
0x4b: {  	_ =	shalt  }
0x4c: {  	_ =	shalt  }
0x4d: {  	_ =	shalt  }
0x4e: {  	_ =	shalt  }
0x4f: {  	_ =	shalt  }
0x50: {  	_ =	shalt  }
0x51: {  	_ =	shalt  }
0x52: {  	_ =	shalt  }
0x53: {  	_ =	shalt  }
0x54: {  	_ =	shalt  }
0x55: {  	_ =	shalt  }
0x56: {  	_ =	shalt  }
0x57: {  	_ =	shalt  }
0x58: {  	_ =	shalt  }
0x59: {  	_ =	shalt  }
0x5a: {  	_ =	shalt  }
0x5b: {  	_ =	shalt  }
0x5c: {  	_ =	shalt  }
0x5d: {  	_ =	shalt  }
0x5e: {  	_ =	shalt  }
0x5f: {  	_ =	shalt  }
0x60: {  	_ =	shalt  }
0x61: {  	_ =	shalt  }
0x62: {  	_ =	shalt  }
0x63: {  	_ =	shalt  }
0x64: {  	_ =	shalt  }
0x65: {  	_ =	shalt  }
0x66: {  	_ =	shalt  }
0x67: {  	_ =	shalt  }
0x68: {  	_ =	shalt  }
0x69: {  	_ =	shalt  }
0x6a: {  	_ =	shalt  }
0x6b: {  	_ =	shalt  }
0x6c: {  	_ =	shalt  }
0x6d: {  	_ =	shalt  }
0x6e: {  	_ =	shalt  }
0x6f: {  	_ =	shalt  }
0x70: {  	_ =	shalt  }
0x71: {  	_ =	shalt  }
0x72: {  	_ =	shalt  }
0x73: {  	_ =	shalt  }
0x74: {  	_ =	shalt  }
0x75: {  	_ =	shalt  }
0x76: {  	_ =	shalt  }
0x77: {  	_ =	shalt  }
0x78: {  	_ =	shalt  }
0x79: {  	_ =	shalt  }
0x7a: {  	_ =	shalt  }
0x7b: {  	_ =	shalt  }
0x7c: {  	_ =	shalt  }
0x7d: {  	_ =	shalt  }
0x7e: {  	_ =	shalt  }
0x7f: {  	_ =	shalt  }
0x80: {  	_ =	shalt  }
0x81: {  	_ =	shalt  }
0x82: {  	_ =	shalt  }
0x83: {  	_ =	shalt  }
0x84: {  	_ =	shalt  }
0x85: {  	_ =	shalt  }
0x86: {  	_ =	shalt  }
0x87: {  	_ =	shalt  }
.Lfunc_end0:
.L_simem_size_0:
called_computation_lowered:
.L_overlay_start_0:
0x88: {  	s0 =	sld [smem:$0x3FD9]  }
0x89: {  	s1 =	sld [smem:$0x3FFE];
	_ =	sdelay $0x3  }
0x8a: {  	s0 =	sadd.s32 s1, s0  }
0x8b: {  	[smem:$0x3FC2] =	sst s0  }
0x8c: {  	_ = 	snop  }
0x8d: {  	s0 =	sld [smem:$0x3FC8];
	(tm) =	ssettm $0x1  }
0x8e: {  	s16 =	sld [smem:$0x3FFB];
	_ =	sdelay $0x3  }
0x8f: {  	_ =	strace s16  }
0x90: {  	s1 =	sld [smem:$0x3FFC];
	_ =	sdelay $0x3  }
0x91: {  	_ =	strace s1  }
0x92: {  	s1 =	sld [smem:$0x3FFD];
	_ =	sdelay $0x3  }
0x93: {  	_ =	strace s1  }
0x94: {  	_ =	strace $0x8FFFFFFF  }
0x95: {  	s17 =	sld [smem:$0x3FDB];
	_ =	sdelay $0x1  }
0x96: {  	s2 =	simm.s32 $_scs_section_size  }
0x97: {  	s3 =	simm.s32 $_size__tile_overlayer_lowered;
	s4 =	simm.s32 $_tile_overlayer_lowered  }
0x98: {  	s20 =	simm.s32 $0x1BFF;
	s19 =	sshll.u32 s4, $0x1;
	s1 =	sadd.s32 s2, s17  }
0x99: {  	s5 =	simm.s32 $0x0;
	s18 =	sshll.u32 s3, $0x1;
	s3 =	sadd.s32 s19, s1  }
0x9a: {  	[timem:s5], [sflag:s20] =	dma.local [hbm:s3], s18  }
0x9b: {  	_ =	swait.ge [sflag:s20], s18  }
0x9c: {  	s2 =	ssub.s32 $0x0, s18;
	[sflag:s20] =	ssyncset.done $0x0  }
0x9d: {  	[sflag:s20] =	ssyncadd.s32 s2;
	_ =	sdelay $0x1  }
0x9e: {  	s21 =	simm.s32 $0x1B8B  }
0x9f: {  	_ =	swait.ge [sflag:s21], $0x1  }
0xa0: {  	[sflag:s21] =	ssyncset.done $0x0  }
0xa1: {  	s23 =	simm.s32 $0x1B8E;
	s22 =	sld [smem:$0x3FFE];
	[sflag:s21] =	ssyncadd.s32 $0xFFFFFFFF  }
0xa2: {  	s24 =	simm.s32 $execute0_lowered;
	[smem:$0x3FD2] =	sst s23  }
0xa3: {  	s3 =	sshll.u32 s24, $0x1;
	_ =	strace $0x80000046;
	[dreg:$0x1] =	wrdreg $0xFFFFFFFF  }
0xa4: {  	s25 =	simm.s32 $_size_execute0_lowered;
	s1 =	sadd.s32 s1, s3;
	[dreg:$0x0] =	wrdreg $0x0  }
0xa5: {  	s3 =	sshll.u32 s25, $0x1;
	[dreg:$0x2] =	wrdreg s1  }
0xa6: {  	[dreg:$0x3] =	wrdreg s3  }
0xa7: {  	[dreg:$0x4] =	wrdreg $0xC0  }
0xa8: {  	_ =	task [dreg:s5], $0x5FFFF  }
0xa9: {  	[dreg:$0x1] =	wrdreg $0xFFFFFFFF  }
0xaa: {  	[dreg:$0x0] =	wrdreg $0x60  }
0xab: {  	[dreg:$0x2] =	wrdreg s0  }
0xac: {  	[dreg:$0x3] =	wrdreg s22  }
0xad: {  	[dreg:$0x4] =	wrdreg $0xCA800  }
0xae: {  	[dreg:$0x5] =	wrdreg $0xCD000  }
0xaf: {  	[dreg:$0x6] =	wrdreg $0xCF800  }
0xb0: {  	[dreg:$0x7] =	wrdreg $0x9  }
0xb1: {  	_ =	task.clear_ibuf [dreg:s5], $0x8FFFF;
	_ =	strace $0x90000046  }
0xb2: {  	s26 =	simm.s32 $0x9;
	_ =	strace $0x80000048  }
0xb3: {  	_ =	swait.ge [sflag:s26], $0x1  }
0xb4: {  	[sflag:s26] =	ssyncadd.s32 $0xFFFFFFFF  }
0xb5: {  	_ =	strace $0x90000048  }
0xb6: {  	_ =	sfence  }
0xb7: {  	s28 =	sld [smem:$0x0];
	_ =	sdelay $0x1  }
0xb8: {  	s29 =	srdreg.scid  }
0xb9: {  	s30 =	sshll.u32 s29, $0xD;
	s31 =	sshrl.u32 s29, $0x2  }
0xba: {  	s2 =	sand.u32 $0x4000, s30;
	s1 =	sand.u32 $0x1, s29;
	s0 =	sadd.s32 s31, s28  }
0xbb: {  	s1 =	sor.u32 s2, s1;
	s0 =	sshll.u32 s0, $0x11  }
0xbc: {  	s0 =	sor.u32 s0, s1  }
0xbd: {  	s0 =	sadd.s32 $0x8F2B, s0  }
0xbe: {  	[sflag:s0] =	ssyncadd.remote.s32 $0x1  }
0xbf: {  	_ =	sfence.sel $0xFFFF  }
0xc0: {  	[dreg:$0x0] =	wrdreg $0xFFFFFFFF;
	(pc) =	sbr.abs _section_cstart, $3  }
0xc1: {  	[dreg:$0x1] =	wrdreg $0xFFFFFFFF  }
0xc2: {  	_ =	task.clear_ibuf [dreg:s5], $0x2FFFF;
	_ =	strace $0x9FFFFFFF  }
0xc3: {  	(tm) =	ssettm $0x7FFFFFFF  }
tec
execute0_lowered:
.L_overlay_start_1:
0x0: {  	(tag) =	ssettag $0x1  }
0x1: {  	s4 =	rddreg [dreg:$0x0]  }
0x2: {  	s5 =	rddreg [dreg:$0x1]  }
0x3: {  	s3 =	rddreg [dreg:$0x2]  }
0x4: {  	s7 =	rddreg [dreg:$0x3]  }
0x5: {  	s2 =	rddreg [dreg:$0x4]  }
0x6: {  	s0 =	rddreg [dreg:$0x5];
	s6 =	simm.s32 $0x0;
	s1 =	stileid.u32  }
0x7: {  	[smem:$0x7FF] =	sst s6;
	p0 =	seq.s32 s1, $0xF  }
0x8: {  	_ =	strace $0x80000047;
	s8 =	sadd.s32 @p0 $0x9600, s4;
	s9 =	simm.s32 @p0 $0x0  }
0x9: {  	[tilespmem:s9], [sflag:$0x1] =	stream.linear.gather @p0 [hbm4b:s8+s9], $0x3200, $0x38;
	[tilespmem:$0xD200] =	vst v63  }
0xa: {  	s8 =	simm.s32 @p0 $0x1  }
0xb: {  	s9 =	smul.u32 @!p0 $0xA00, s1;
	_ =	swait.ge @p0 [sflag:s8], $0x3200  }
0xc: {  	[sflag:s8] =	ssyncset.done @p0 $0x0  }
0xd: {  	s4 =	sadd.s32 @!p0 s4, s9;
	[sflag:s8] =	ssyncadd.s32 @p0 $0xFFFFCE00;
	s8 =	simm.s32 @!p0 $0x0  }
0xe: {  	[tilespmem:s8], [sflag:$0x1] =	stream.linear.gather @!p0 [hbm4b:s4+s8], $0x5000, $0x38;
	[tilespmem:$0xD200] =	vst v63  }
0xf: {  	s16 =	simm.s32 $0x1;
	s4 =	simm.s32 @!p0 $0x1  }
0x10: {  	s17 =	sand.u32 $0x40, s6;
	s10 =	sand.u32 $0x7F00, s6;
	_ =	swait.ge @!p0 [sflag:s4], $0x5000  }
0x11: {  	s11 =	sor.u32 $0x30, s17;
	s18 =	sor.u32 $0x10, s17;
	[sflag:s4] =	ssyncset.done @!p0 $0x0  }
0x12: {  	s12 =	sor.u32 s11, s10;
	[dreg:$0x6] =	wrdreg s16;
	[sflag:s4] =	ssyncadd.s32 @!p0 $0xFFFFB000  }
0x13: {  	s13 =	sor.u32 $0x20, s17;
	s14 =	sor.u32 s18, s10;
	v0 =	vld [tilespmem:s12+$0x0]  }
0x14: {  	s19 =	sor.u32 s13, s10;
	s9 =	rddreg [dreg:$0x6];
	p0 =	por $0x0, $0x0;
	v1 =	vld [tilespmem:s14+$0x0]  }
0x15: {  	s28 =	simm.s32 $0x5000;
	s8 =	sor.u32 s17, s10;
	s9 =	simm.s32 @!p0 $0x0;
	v2 =	vld [tilespmem:s19+$0x0]  }
0x16: {  	s20 =	smul.u32 $0x280, s1;
	s6 =	sand.u32 $0x3F80, s6;
	v3 =	vld [tilespmem:s8+$0x0];
	s9 =	sshll.u32 s9, $0x6  }
0x17: {  	s30 =	simm.s32 $0x80;
	s15 =	sor.u32 s6, s11;
	s9 =	sadd.s32 $0x0, s9  }
0x18: {  	s21 =	sshrl.u32 s20, $0x3;
	s24 =	sor.u32 s6, s18;
	s22 =	sadd.s32 $0x30, s9;
	[tilespmem:s15+$0x5000] =	vst v0  }
0x19: {  	s6 =	sor.u32 s6, s13;
	s23 =	sadd.s32 $0x10, s9;
	s25 =	sor.u32 $0x80, s22;
	[tilespmem:s24+$0x5000] =	vst v1  }
0x1a: {  	s18 =	sand.u32 $0x7F00, s30;
	s26 =	sadd.s32 $0x20, s9;
	s11 =	sor.u32 $0x80, s23;
	[tilespmem:s6+$0x5000] =	vst v2;
	v1 =	vld [tilespmem:s25+$0x0]  }
0x1b: {  	s13 =	sadd.s32 s21, s5;
	s16 =	simm.s32 $0x40;
	s29 =	sor.u32 $0x80, s26;
	v0 =	vimm.f32 $1.000000000e+00;
	[tilespmem:s28+$0x0] =	vst v3;
	v4 =	vld [tilespmem:s11+$0x0]  }
0x1c: {  	s5 =	sadd.s32 s20, s3;
	s17 =	sand.u32 $0x40, s16;
	s9 =	sor.u32 $0x80, s9;
	v2 =	vld [tilespmem:s29+$0x0];
	[tilespmem:s24+$0xA000] =	vst v0  }
0x1d: {  	s4 =	sadd.s32 s20, s2;
	s31 =	sor.u32 $0x10, s17;
	s19 =	sor.u32 $0x30, s17;
	v3 =	vld [tilespmem:s9+$0x0];
	[tilespmem:s6+$0xA000] =	vst v0  }
0x1e: {  	s8 =	sadd.s32 s20, s7;
	s20 =	sor.u32 $0x20, s17;
	s22 =	sor.u32 s19, s18;
	[tilespmem:s15+$0xA000] =	vst v0  }
0x1f: {  	p0 =	por !p0, !p0;
	s23 =	sor.u32 s31, s18;
	s9 =	rddreg [dreg:$0x6];
	[tilespmem:s15+$0x7800] =	vst v1;
	v1 =	vld [tilespmem:s22+$0x0]  }
0x20: {  	s10 =	simm.s32 $0x7800;
	s9 =	simm.s32 @!p0 $0x0;
	[tilespmem:s24+$0x7800] =	vst v4;
	s24 =	sor.u32 s20, s18;
	v4 =	vld [tilespmem:s23+$0x0]  }
0x21: {  	s16 =	sand.u32 $0x3F80, s16;
	s25 =	sor.u32 s17, s18;
	s26 =	sshll.u32 s9, $0x6;
	[tilespmem:s6+$0x7800] =	vst v2;
	v5 =	vld [tilespmem:s24+$0x0]  }
0x22: {  	s12 =	sor.u32 s16, s19;
	s11 =	simm.s32 $0xA000;
	s21 =	sadd.s32 $0x80, s26;
	[tilespmem:s10+$0x0] =	vst v3;
	v3 =	vld [tilespmem:s25+$0x0]  }
0x23: {  	s17 =	sor.u32 s16, s31;
	s9 =	sadd.s32 $0x1A00, s13;
	s28 =	sadd.s32 $0x30, s21;
	[tilespmem:s11+$0x0] =	vst v0  }
0x24: {  	s29 =	sadd.s32 $0x10, s21;
	s6 =	sadd.s32 $0x1400, s13;
	s13 =	sor.u32 $0x80, s28;
	[tilespmem:s12+$0x5000] =	vst v1  }
0x25: {  	s30 =	sadd.s32 $0x20, s21;
	s15 =	sor.u32 $0x80, s29;
	s18 =	sor.u32 s16, s20;
	[tilespmem:s17+$0x5000] =	vst v4;
	v1 =	vld [tilespmem:s13+$0x0]  }
0x26: {  	s14 =	simm.s32 $0x5040;
	s19 =	sor.u32 $0x80, s21;
	s31 =	sor.u32 $0x80, s30;
	v2 =	vld [tilespmem:s15+$0x0];
	[tilespmem:s18+$0x5000] =	vst v5  }
0x27: {  	s16 =	simm.s32 $0x80;
	[tilespmem:s14+$0x0] =	vst v3;
	s13 =	simm.s32 $0x4;
	s15 =	simm.s32 $0x100;
	v3 =	vld [tilespmem:s31+$0x0]  }
.LBB2_1:
0x28: {  	s21 =	sand.u32 $0x40, s16;
	v4 =	vld [tilespmem:s19+$0x0];
	[tilespmem:s17+$0xA000] =	vst v0  }
0x29: {  	s20 =	rddreg [dreg:$0x6];
	s31 =	sand.u32 $0x7F00, s15;
	[tilespmem:s18+$0xA000] =	vst v0;
	s22 =	sor.u32 $0x30, s21  }
0x2a: {  	s13 =	sadd.s32 $0x4, s13;
	s23 =	sor.u32 $0x10, s21;
	s25 =	sor.u32 s22, s31;
	[tilespmem:s12+$0x7800] =	vst v1  }
0x2b: {  	p0 =	por !p0, !p0;
	s24 =	sor.u32 $0x20, s21;
	s26 =	sor.u32 s23, s31;
	[tilespmem:s17+$0x7800] =	vst v2;
	v1 =	vld [tilespmem:s25+$0x0]  }
0x2c: {  	s10 =	sadd.s32 $0x40, s10;
	s20 =	simm.s32 @!p0 $0x0;
	s28 =	sor.u32 s24, s31;
	[tilespmem:s18+$0x7800] =	vst v3;
	v2 =	vld [tilespmem:s26+$0x0]  }
0x2d: {  	s11 =	sadd.s32 $0x40, s11;
	s21 =	sor.u32 s21, s31;
	s25 =	sshll.u32 s20, $0x6;
	v3 =	vld [tilespmem:s28+$0x0];
	[tilespmem:s10+$0x0] =	vst v4  }
0x2e: {  	p1 =	slt.u32 s13, $0x27C;
	s28 =	sand.u32 $0x3F80, s16;
	[tilespmem:s12+$0xA000] =	vst v0;
	s26 =	sadd.s32 s25, s15;
	v4 =	vld [tilespmem:s21+$0x0]  }
.Ltmp0:
0x2f: {  	[tilespmem:s11+$0x0] =	vst v0;
	s12 =	sor.u32 s28, s22;
	s30 =	sadd.s32 $0x30, s26;
	(pc) =	sbr.rel @p1 .LBB2_1-.Ltmp0, $4  }
0x30: {  	s17 =	sor.u32 s28, s23;
	s29 =	sadd.s32 $0x10, s26;
	s21 =	sor.u32 $0x80, s30;
	[tilespmem:s12+$0x5000] =	vst v1  }
0x31: {  	s18 =	sor.u32 s28, s24;
	s31 =	sadd.s32 $0x20, s26;
	s20 =	sor.u32 $0x80, s29;
	[tilespmem:s17+$0x5000] =	vst v2;
	v1 =	vld [tilespmem:s21+$0x0]  }
0x32: {  	s14 =	sadd.s32 $0x40, s14;
	s22 =	sor.u32 $0x80, s31;
	[tilespmem:s18+$0x5000] =	vst v3;
	v2 =	vld [tilespmem:s20+$0x0]  }
0x33: {  	s16 =	sadd.s32 $0x40, s16;
	s15 =	sadd.s32 $0x80, s15;
	s19 =	sor.u32 $0x80, s26;
	[tilespmem:s14+$0x0] =	vst v4;
	v3 =	vld [tilespmem:s22+$0x0]  }
0x34: {  	[tilespmem:s17+$0xA000] =	vst v0  }
0x35: {  	v4 =	vld [tilespmem:s19+$0x0];
	[tilespmem:s18+$0xA000] =	vst v0  }
0x36: {  	p0 =	sne.s32 s1, $0xF;
	[tilespmem:s12+$0xA000] =	vst v0  }
.Ltmp1:
0x37: {  	[tilespmem:s12+$0x7800] =	vst v1;
	(pc) =	sbr.rel @p0 .LBB2_5-.Ltmp1, $4  }
0x38: {  	[tilespmem:s17+$0x7800] =	vst v2  }
0x39: {  	s10 =	sadd.s32 $0x40, s10;
	[tilespmem:s18+$0x7800] =	vst v3  }
0x3a: {  	s31 =	sadd.s32 $0x40, s11;
	[tilespmem:s10+$0x0] =	vst v4  }
0x3b: {  	[tilespmem:s31+$0x0] =	vst v0  }
0x3c: {  	s11 =	simm.s32 $0x6970;
	v0 =	vimm.s32 $0xFFFFFFFF  }
0x3d: {  	[tilespmem:s11+$0xFFFFFFA0] =	vst v0  }
0x3e: {  	[tilespmem:s11+$0xFFFFFFB0] =	vst v0  }
0x3f: {  	[tilespmem:s11+$0xFFFFFFC0] =	vst v0  }
0x40: {  	[tilespmem:s11+$0xFFFFFFD0] =	vst v0  }
0x41: {  	[tilespmem:s11+$0xFFFFFFE0] =	vst v0  }
0x42: {  	[tilespmem:s11+$0xFFFFFFF0] =	vst v0  }
0x43: {  	[tilespmem:s11+$0x0] =	vst v0  }
0x44: {  	s10 =	simm.s32 $0x9170;
	[tilespmem:s11+$0xFFFFFF90] =	vst v0  }
0x45: {  	[tilespmem:s10+$0xFFFFFFA0] =	vst v0  }
0x46: {  	[tilespmem:s10+$0xFFFFFFB0] =	vst v0  }
0x47: {  	[tilespmem:s10+$0xFFFFFFC0] =	vst v0  }
0x48: {  	[tilespmem:s10+$0xFFFFFFD0] =	vst v0  }
0x49: {  	[tilespmem:s10+$0xFFFFFFE0] =	vst v0  }
0x4a: {  	[tilespmem:s10+$0xFFFFFFF0] =	vst v0  }
0x4b: {  	[tilespmem:s10+$0x0] =	vst v0  }
0x4c: {  	s12 =	simm.s32 $0x69F0;
	s11 =	simm.s32 $0x0;
	[tilespmem:s10+$0xFFFFFF90] =	vst v0  }
.LBB2_4:
0x4d: {  	[tilespmem:s12+$0xFFFFFFA0] =	vst v0;
	s10 =	sadd.s32 $0x80, s10  }
0x4e: {  	[tilespmem:s10+$0xFFFFFFA0] =	vst v0  }
0x4f: {  	[tilespmem:s12+$0xFFFFFFB0] =	vst v0  }
0x50: {  	[tilespmem:s10+$0xFFFFFFB0] =	vst v0  }
0x51: {  	[tilespmem:s12+$0xFFFFFFC0] =	vst v0  }
0x52: {  	[tilespmem:s10+$0xFFFFFFC0] =	vst v0  }
0x53: {  	[tilespmem:s12+$0xFFFFFFD0] =	vst v0  }
0x54: {  	[tilespmem:s10+$0xFFFFFFD0] =	vst v0  }
0x55: {  	[tilespmem:s12+$0xFFFFFFE0] =	vst v0  }
0x56: {  	s11 =	sadd.s32 $0x8, s11;
	[tilespmem:s10+$0xFFFFFFE0] =	vst v0  }
0x57: {  	p0 =	slt.u32 s11, $0xE8;
	[tilespmem:s12+$0xFFFFFFF0] =	vst v0  }
.Ltmp2:
0x58: {  	[tilespmem:s10+$0xFFFFFFF0] =	vst v0;
	(pc) =	sbr.rel @p0 .LBB2_4-.Ltmp2, $4  }
0x59: {  	[tilespmem:s12+$0x0] =	vst v0  }
0x5a: {  	[tilespmem:s10+$0x0] =	vst v0  }
0x5b: {  	[tilespmem:s12+$0xFFFFFF90] =	vst v0  }
0x5c: {  	s12 =	sadd.s32 $0x80, s12;
	[tilespmem:s10+$0xFFFFFF90] =	vst v0  }
.LBB2_5:
0x5d: {  	s10 =	simm.s32 $0xC840;
	v0 =	vimm.f32 $0.0e+00  }
0x5e: {  	[tilespmem:s10+$0xFFFFFFC0] =	vst v0  }
0x5f: {  	[tilespmem:s10+$0x30] =	vst v0  }
0x60: {  	[tilespmem:s10+$0x20] =	vst v0  }
0x61: {  	[tilespmem:s10+$0x10] =	vst v0  }
0x62: {  	[tilespmem:s10+$0x0] =	vst v0  }
0x63: {  	[tilespmem:s10+$0xFFFFFFF0] =	vst v0  }
0x64: {  	s11 =	simm.s32 $0x0;
	[tilespmem:s10+$0xFFFFFFE0] =	vst v0  }
.LBB2_6:
0x65: {  	s11 =	sadd.s32 $0x8, s11;
	[tilespmem:s10+$0xFFFFFFD0] =	vst v0;
	s10 =	sadd.s32 $0x80, s10  }
0x66: {  	[tilespmem:s10+$0xFFFFFFC0] =	vst v0;
	p0 =	slt.u32 s11, $0x20  }
0x67: {  	[tilespmem:s10+$0x30] =	vst v0  }
.Ltmp3:
0x68: {  	[tilespmem:s10+$0x20] =	vst v0;
	(pc) =	sbr.rel @p0 .LBB2_6-.Ltmp3, $4  }
0x69: {  	[tilespmem:s10+$0x10] =	vst v0  }
0x6a: {  	[tilespmem:s10+$0x0] =	vst v0  }
0x6b: {  	[tilespmem:s10+$0xFFFFFFF0] =	vst v0  }
0x6c: {  	[tilespmem:s10+$0xFFFFFFE0] =	vst v0  }
0x6d: {  	[tilespmem:s10+$0xFFFFFFD0] =	vst v0;
	s28 =	simm.s32 $0xC800;
	s11 =	simm.s32 $0x1  }
0x6e: {  	[spmem:s5] =	stream.linear.scatter [tilespmem:s28], [sflag:$0x1], $0x280, $0x38;
	[tilespmem:$0xD200] =	vst v63  }
0x6f: {  	_ =	swait.ge [sflag:s11], $0x280  }
0x70: {  	[sflag:s11] =	ssyncset.done $0x0  }
0x71: {  	[sflag:s11] =	ssyncadd.s32 $0xFFFFFD80  }
0x72: {  	[spmem:s8] =	stream.linear.scatter [tilespmem:s28], [sflag:$0x1], $0x280, $0x38;
	[tilespmem:$0xD200] =	vst v63  }
0x73: {  	_ =	swait.ge [sflag:s11], $0x280  }
0x74: {  	[sflag:s11] =	ssyncset.done $0x0  }
0x75: {  	[sflag:s11] =	ssyncadd.s32 $0xFFFFFD80  }
0x76: {  	[spmem:s4] =	stream.linear.scatter [tilespmem:s28], [sflag:$0x1], $0x280, $0x38;
	[tilespmem:$0xD200] =	vst v63  }
0x77: {  	_ =	swait.ge [sflag:s11], $0x280  }
0x78: {  	[sflag:s11] =	ssyncset.done $0x0  }
0x79: {  	[sflag:s11] =	ssyncadd.s32 $0xFFFFFD80  }
0x7a: {  	s12 =	simm.s32 $0x2800;
	[bflag:$0x0] =	sbarrier.arrive $0xFFFF  }
0x7b: {  	s13 =	simm.s32 $0x7800;
	s14 =	simm.s32 $0xA000;
	(ifvalue) =	ssetifvalue $0xFFFFFFFF  }
0x7c: {  	[spmem:s3] =	stream.indirect.scatter.add.f32 [tilespmem:s14], [sflag:$0x1], $0x1, s13, s12, $0x40b8;
	[tilespmem:$0xD200] =	vst v63  }
0x7d: {  	_ =	swait.ge [sflag:s11], $0x2800  }
0x7e: {  	[sflag:s11] =	ssyncset.done $0x0  }
0x7f: {  	s29 =	simm.s32 $0x5000;
	[sflag:s11] =	ssyncadd.s32 $0xFFFFD800;
	(ifvalue) =	ssetifvalue $0xFFFFFFFF  }
0x80: {  	[spmem:s7] =	stream.indirect.scatter.add.f32 [tilespmem:s14], [sflag:$0x1], $0x1, s29, s12, $0x40b8;
	[tilespmem:$0xD200] =	vst v63  }
0x81: {  	_ =	swait.ge [sflag:s11], $0x2800  }
0x82: {  	[sflag:s11] =	ssyncset.done $0x0  }
0x83: {  	s30 =	sshll.u32 s1, $0x6;
	[sflag:s11] =	ssyncadd.s32 $0xFFFFD800  }
0x84: {  	s31 =	sshrl.u32 s8, $0x3;
	s7 =	sor.u32 $0x1C01, s30;
	[bflag:$0x0] =	sbarrier.arrive $0xFFFF  }
0x85: {  	[hbm:s9], [sflag:s7] =	dma.local [spmem:s31], $0x50  }
0x86: {  	_ =	swait.ge [sflag:s11], $0x50  }
0x87: {  	[sflag:s11] =	ssyncset.done $0x0  }
0x88: {  	[sflag:s11] =	ssyncadd.s32 $0xFFFFFFB0  }
0x89: {  	[tilespmem:s28], [sflag:$0x1] =	stream.linear.gather [spmem:s5], $0x280, $0x38;
	[tilespmem:$0xD200] =	vst v63  }
0x8a: {  	_ =	swait.ge [sflag:s11], $0x280  }
0x8b: {  	[sflag:s11] =	ssyncset.done $0x0  }
0x8c: {  	s8 =	simm.s32 $0xC840;
	[sflag:s11] =	ssyncadd.s32 $0xFFFFFD80  }
0x8d: {  	v0 =	vld [tilespmem:s8+$0xFFFFFFC0];
	_ =	sdelay $0x1  }
0x8e: {  	v1 =	vld [tilespmem:s8+$0x30];
	_ =	sdelay $0x2  }
0x8f: {  	v0 =	vmax.f32 v0, $1.000000000e+00  }
0x90: {  	v2 =	vshra.s32 v0, $0x1;
	v0 =	vmul.f32 $5.000000000e-01, v0  }
0x91: {  	v1 =	vmax.f32 v1, $1.000000000e+00;
	v2 =	vsub.s32 $0x5F3759DF, v2  }
0x92: {  	v3 =	vshra.s32 v1, $0x1;
	v4 =	vmul.f32 $5.000000000e-01, v1;
	v1 =	vmul.f32 v2, v0  }
0x93: {  	v3 =	vsub.s32 $0x5F3759DF, v3  }
0x94: {  	v5 =	vmul.f32 v3, v4;
	v1 =	vmul.f32 v2, v1  }
0x95: {  	v6 =	vld [tilespmem:s8+$0xFFFFFFE0]  }
0x96: {  	v7 =	vld [tilespmem:s8+$0x10];
	v5 =	vmul.f32 v3, v5;
	v1 =	vsub.f32 $1.500000000e+00, v1  }
0x97: {  	v8 =	vld [tilespmem:s8+$0x0]  }
0x98: {  	v13 =	vld [tilespmem:s8+$0xFFFFFFD0];
	v5 =	vsub.f32 $1.500000000e+00, v5;
	v9 =	vmul.f32 v2, v1  }
0x99: {  	v1 =	vld [tilespmem:s8+$0x20]  }
0x9a: {  	v3 =	vmul.f32 v3, v5;
	v5 =	vmax.f32 v6, $1.000000000e+00;
	v6 =	vld [tilespmem:s8+$0xFFFFFFF0];
	v2 =	vmul.f32 v9, v0;
	_ =	sdelay $0x1  }
0x9b: {  	v10 =	vshra.s32 v5, $0x1;
	v11 =	vmul.f32 v3, v4;
	v2 =	vmul.f32 v2, v9  }
0x9c: {  	v7 =	vmax.f32 v7, $1.000000000e+00;
	v8 =	vmax.f32 v8, $1.000000000e+00;
	v12 =	vsub.s32 $0x5F3759DF, v10  }
0x9d: {  	v10 =	vmul.f32 v11, v3;
	v1 =	vmax.f32 v1, $1.000000000e+00;
	v11 =	vsub.f32 $1.500000000e+00, v2  }
0x9e: {  	v13 =	vmax.f32 v13, $1.000000000e+00;
	v6 =	vmax.f32 v6, $1.000000000e+00;
	v14 =	vshra.s32 v1, $0x1  }
0x9f: {  	v1 =	vmul.f32 $5.000000000e-01, v1;
	v10 =	vsub.f32 $1.500000000e+00, v10;
	v9 =	vmul.f32 v11, v9  }
0xa0: {  	v2 =	vmul.f32 $5.000000000e-01, v7;
	v7 =	vshra.s32 v7, $0x1;
	v16 =	vsub.s32 $0x5F3759DF, v14  }
0xa1: {  	v7 =	vsub.s32 $0x5F3759DF, v7;
	v14 =	vmul.f32 v10, v3;
	v3 =	vmul.f32 v9, v0  }
0xa2: {  	v11 =	vshra.s32 v8, $0x1;
	v15 =	vmul.f32 v7, v2;
	v0 =	vmul.f32 $5.000000000e-01, v5  }
0xa3: {  	v10 =	vshra.s32 v6, $0x1;
	v17 =	vmul.f32 v14, v4;
	v18 =	vmul.f32 v3, v9  }
0xa4: {  	v11 =	vsub.s32 $0x5F3759DF, v11;
	v5 =	vmul.f32 $5.000000000e-01, v8;
	v4 =	vmul.f32 $5.000000000e-01, v6  }
0xa5: {  	v3 =	vmul.f32 $5.000000000e-01, v13;
	v6 =	vmul.f32 v17, v14;
	v8 =	vsub.f32 $1.500000000e+00, v18  }
0xa6: {  	v17 =	vsub.s32 $0x5F3759DF, v10;
	v10 =	vmul.f32 v12, v0;
	v61 =	vmul.f32 v11, v5  }
0xa7: {  	v13 =	vshra.s32 v13, $0x1;
	v19 =	vmul.f32 v17, v4;
	v20 =	vmul.f32 v8, v9  }
0xa8: {  	v6 =	vsub.f32 $1.500000000e+00, v6;
	v8 =	vmul.f32 v12, v10;
	v9 =	vmul.f32 v11, v61  }
0xa9: {  	v62 =	vmul.f32 v16, v1;
	v10 =	vsub.s32 $0x5F3759DF, v13;
	v13 =	vmul.f32 v17, v19  }
0xaa: {  	v63 =	vmul.f32 v6, v14;
	v6 =	vsub.f32 $1.500000000e+00, v8;
	v9 =	vsub.f32 $1.500000000e+00, v9  }
0xab: {  	v14 =	vmul.f32 v16, v62;
	v21 =	vmul.f32 v10, v3;
	v13 =	vsub.f32 $1.500000000e+00, v13  }
0xac: {  	v8 =	vmul.f32 v12, v6;
	v9 =	vmul.f32 v11, v9  }
0xad: {  	v18 =	vsub.f32 $1.500000000e+00, v14;
	v11 =	vmul.f32 v7, v15;
	v6 =	vmul.f32 v17, v13  }
0xae: {  	[tilespmem:s8+$0xFFFFFFC0] =	vst v20;
	v15 =	vmul.f32 v10, v21;
	v14 =	vmul.f32 v8, v0  }
0xaf: {  	s10 =	simm.s32 $0xC8C0;
	s9 =	simm.s32 $0x0;
	[tilespmem:s8+$0x30] =	vst v63;
	v12 =	vmul.f32 v9, v5;
	v13 =	vsub.f32 $1.500000000e+00, v11;
	v11 =	vmul.f32 v16, v18  }
.LBB2_8:
0xb0: {  	v16 =	vld [tilespmem:s10+$0xFFFFFFC0];
	s9 =	sadd.s32 $0x8, s9;
	v14 =	vmul.f32 v14, v8;
	v17 =	vmul.f32 v6, v4  }
0xb1: {  	v7 =	vmul.f32 v7, v13;
	v18 =	vld [tilespmem:s10+$0x10];
	p0 =	slt.u32 s9, $0x20;
	v15 =	vsub.f32 $1.500000000e+00, v15;
	v13 =	vmul.f32 v11, v1  }
0xb2: {  	v19 =	vld [tilespmem:s10+$0x30];
	v14 =	vsub.f32 $1.500000000e+00, v14;
	v17 =	vmul.f32 v17, v6  }
0xb3: {  	v20 =	vld [tilespmem:s10+$0xFFFFFFE0];
	v10 =	vmul.f32 v10, v15;
	v13 =	vmul.f32 v13, v11  }
0xb4: {  	v15 =	vld [tilespmem:s10+$0xFFFFFFD0];
	v8 =	vmul.f32 v14, v8;
	v14 =	vsub.f32 $1.500000000e+00, v17;
	v17 =	vmul.f32 v7, v2  }
0xb5: {  	v12 =	vmul.f32 v12, v9;
	v16 =	vmax.f32 v16, $1.000000000e+00;
	v21 =	vld [tilespmem:s10+$0x20];
	v22 =	vmul.f32 v10, v3  }
0xb6: {  	v13 =	vsub.f32 $1.500000000e+00, v13;
	v23 =	vld [tilespmem:s10+$0x0];
	v18 =	vmax.f32 v18, $1.000000000e+00;
	v17 =	vmul.f32 v17, v7  }
0xb7: {  	v24 =	vshra.s32 v16, $0x1;
	v25 =	vld [tilespmem:s10+$0xFFFFFFF0];
	v19 =	vmax.f32 v19, $1.000000000e+00;
	v22 =	vmul.f32 v22, v10  }
0xb8: {  	v16 =	vmul.f32 $5.000000000e-01, v16;
	v20 =	vmax.f32 v20, $1.000000000e+00;
	v17 =	vsub.f32 $1.500000000e+00, v17  }
0xb9: {  	v24 =	vsub.s32 $0x5F3759DF, v24;
	v11 =	vmul.f32 v13, v11;
	v26 =	vshra.s32 v19, $0x1  }
0xba: {  	v19 =	vmul.f32 $5.000000000e-01, v19;
	v13 =	vsub.s32 $0x5F3759DF, v26;
	v17 =	vmul.f32 v17, v7  }
0xbb: {  	v12 =	vsub.f32 $1.500000000e+00, v12;
	v7 =	vmul.f32 v24, v16;
	v23 =	vmax.f32 v23, $1.000000000e+00  }
0xbc: {  	v26 =	vshra.s32 v20, $0x1;
	v28 =	vmul.f32 v11, v1;
	v27 =	vmul.f32 v13, v19  }
0xbd: {  	v26 =	vsub.s32 $0x5F3759DF, v26;
	v1 =	vmul.f32 v24, v7;
	v2 =	vmul.f32 v17, v2  }
0xbe: {  	v22 =	vsub.f32 $1.500000000e+00, v22;
	v7 =	vmax.f32 v21, $1.000000000e+00;
	v21 =	vmul.f32 v13, v27  }
0xbf: {  	v29 =	vshra.s32 v7, $0x1;
	v27 =	vsub.f32 $1.500000000e+00, v1;
	v30 =	vmul.f32 v2, v17  }
0xc0: {  	v1 =	vmul.f32 $5.000000000e-01, v7;
	v7 =	vsub.f32 $1.500000000e+00, v21;
	v21 =	vmul.f32 v28, v11  }
0xc1: {  	v2 =	vmul.f32 $5.000000000e-01, v18;
	v24 =	vmul.f32 v24, v27;
	v27 =	vsub.s32 $0x5F3759DF, v29  }
0xc2: {  	v9 =	vmul.f32 v12, v9;
	v25 =	vmax.f32 v25, $1.000000000e+00;
	v13 =	vmul.f32 v13, v7  }
0xc3: {  	v12 =	vshra.s32 v23, $0x1;
	v28 =	vmul.f32 v8, v0;
	v7 =	vmul.f32 v24, v16  }
0xc4: {  	v5 =	vmul.f32 v9, v5;
	v29 =	vshra.s32 v25, $0x1;
	v31 =	vmul.f32 v13, v19  }
0xc5: {  	v0 =	vmul.f32 $5.000000000e-01, v20;
	v32 =	vmul.f32 v7, v24;
	v7 =	vshra.s32 v18, $0x1  }
0xc6: {  	v5 =	vmul.f32 v5, v9;
	v18 =	vmul.f32 v31, v13;
	v7 =	vsub.s32 $0x5F3759DF, v7  }
0xc7: {  	v14 =	vmul.f32 v14, v6;
	v15 =	vmax.f32 v15, $1.000000000e+00;
	v20 =	vsub.f32 $1.500000000e+00, v32  }
0xc8: {  	v22 =	vmul.f32 v22, v10;
	v6 =	vmul.f32 v7, v2;
	v18 =	vsub.f32 $1.500000000e+00, v18  }
0xc9: {  	v10 =	vmul.f32 v20, v24;
	v20 =	vshra.s32 v15, $0x1;
	v24 =	vmul.f32 v14, v4  }
0xca: {  	v21 =	vsub.f32 $1.500000000e+00, v21;
	v13 =	vmul.f32 v18, v13;
	v18 =	vmul.f32 v22, v3  }
0xcb: {  	v12 =	vsub.s32 $0x5F3759DF, v12;
	v4 =	vmul.f32 v10, v16;
	v16 =	vmul.f32 v28, v8  }
0xcc: {  	v3 =	vmul.f32 $5.000000000e-01, v15;
	v15 =	vmul.f32 v13, v19;
	v19 =	vsub.f32 $1.500000000e+00, v30  }
0xcd: {  	v28 =	vmul.f32 v4, v10;
	v4 =	vmul.f32 $5.000000000e-01, v25;
	v25 =	vsub.f32 $1.500000000e+00, v5  }
0xce: {  	v29 =	vsub.s32 $0x5F3759DF, v29;
	v30 =	vmul.f32 v27, v1;
	v15 =	vmul.f32 v15, v13  }
0xcf: {  	v31 =	vmul.f32 v26, v0;
	v5 =	vmul.f32 $5.000000000e-01, v23;
	v28 =	vsub.f32 $1.500000000e+00, v28  }
0xd0: {  	v11 =	vmul.f32 v21, v11;
	v23 =	vmul.f32 v29, v4;
	v15 =	vsub.f32 $1.500000000e+00, v15  }
0xd1: {  	v18 =	vmul.f32 v18, v22;
	v16 =	vsub.f32 $1.500000000e+00, v16;
	v21 =	vmul.f32 v28, v10  }
0xd2: {  	v10 =	vsub.s32 $0x5F3759DF, v20;
	v13 =	vmul.f32 v15, v13;
	v15 =	vmul.f32 v19, v17;
	[tilespmem:s8+$0x20] =	vst v11  }
0xd3: {  	v18 =	vsub.f32 $1.500000000e+00, v18;
	v17 =	vmul.f32 v12, v5;
	v11 =	vmul.f32 v29, v23;
	[tilespmem:s10+$0xFFFFFFC0] =	vst v21  }
0xd4: {  	v19 =	vmul.f32 v26, v31;
	v20 =	vmul.f32 v24, v14;
	[tilespmem:s8+$0x10] =	vst v15  }
0xd5: {  	v11 =	vsub.f32 $1.500000000e+00, v11;
	v15 =	vmul.f32 v12, v17;
	[tilespmem:s10+$0x30] =	vst v13;
	v13 =	vmul.f32 v18, v22  }
0xd6: {  	v16 =	vmul.f32 v16, v8;
	v17 =	vmul.f32 v10, v3;
	v18 =	vsub.f32 $1.500000000e+00, v19  }
0xd7: {  	v6 =	vmul.f32 v7, v6;
	v19 =	vmul.f32 v27, v30;
	v15 =	vsub.f32 $1.500000000e+00, v15;
	[tilespmem:s8+$0xFFFFFFD0] =	vst v13  }
.Ltmp4:
0xd8: {  	v8 =	vmul.f32 v26, v18;
	v18 =	vmul.f32 v25, v9;
	[tilespmem:s8+$0xFFFFFFE0] =	vst v16;
	v16 =	vsub.f32 $1.500000000e+00, v20;
	(pc) =	sbr.rel @p0 .LBB2_8-.Ltmp4, $4  }
0xd9: {  	v13 =	vsub.f32 $1.500000000e+00, v6;
	v19 =	vsub.f32 $1.500000000e+00, v19;
	v9 =	vmul.f32 v12, v15  }
0xda: {  	v6 =	vmul.f32 v29, v11;
	v16 =	vmul.f32 v16, v14;
	[tilespmem:s8+$0x0] =	vst v18  }
0xdb: {  	v14 =	vmul.f32 v8, v0;
	v12 =	vmul.f32 v9, v5  }
0xdc: {  	v15 =	vmul.f32 v10, v17;
	v11 =	vmul.f32 v27, v19;
	[tilespmem:s8+$0xFFFFFFF0] =	vst v16;
	s8 =	smov.u32 s10;
	s10 =	sadd.s32 $0x80, s10  }
0xdd: {  	v7 =	vmul.f32 v7, v13;
	v14 =	vmul.f32 v14, v8  }
0xde: {  	v17 =	vmul.f32 v6, v4;
	v12 =	vmul.f32 v12, v9;
	v43 =	vsub.f32 $1.500000000e+00, v15  }
0xdf: {  	v44 =	vmul.f32 v11, v1;
	v16 =	vmul.f32 v7, v2;
	v49 =	vsub.f32 $1.500000000e+00, v14  }
0xe0: {  	v50 =	vmul.f32 v17, v6;
	v10 =	vmul.f32 v10, v43  }
0xe1: {  	v12 =	vsub.f32 $1.500000000e+00, v12;
	v45 =	vmul.f32 v44, v11;
	v54 =	vmul.f32 v49, v8  }
0xe2: {  	v46 =	vmul.f32 v16, v7;
	v55 =	vsub.f32 $1.500000000e+00, v50;
	v47 =	vmul.f32 v10, v3  }
0xe3: {  	v56 =	vmul.f32 v12, v9;
	v13 =	vsub.f32 $1.500000000e+00, v45;
	v0 =	vmul.f32 v54, v0  }
0xe4: {  	v15 =	vsub.f32 $1.500000000e+00, v46;
	v58 =	vmul.f32 v55, v6;
	v16 =	vmul.f32 v47, v10  }
0xe5: {  	v5 =	vmul.f32 v56, v5;
	v48 =	vmul.f32 v13, v11  }
0xe6: {  	v7 =	vmul.f32 v15, v7;
	v59 =	vmul.f32 v58, v4;
	v51 =	vsub.f32 $1.500000000e+00, v16  }
0xe7: {  	v0 =	vmul.f32 v0, v54;
	v5 =	vmul.f32 v5, v56  }
0xe8: {  	v52 =	vmul.f32 v48, v1;
	v10 =	vmul.f32 v51, v10  }
0xe9: {  	v53 =	vmul.f32 v7, v2;
	v0 =	vsub.f32 $1.500000000e+00, v0;
	v4 =	vmul.f32 v59, v58  }
0xea: {  	v5 =	vsub.f32 $1.500000000e+00, v5;
	v1 =	vmul.f32 v52, v48;
	v57 =	vmul.f32 v10, v3  }
0xeb: {  	v2 =	vmul.f32 v53, v7;
	v0 =	vmul.f32 v0, v54;
	v61 =	vsub.f32 $1.500000000e+00, v4  }
0xec: {  	v62 =	vmul.f32 v5, v56;
	v1 =	vsub.f32 $1.500000000e+00, v1;
	v3 =	vmul.f32 v57, v10  }
0xed: {  	v2 =	vsub.f32 $1.500000000e+00, v2;
	[tilespmem:s8+$0xFFFFFFE0] =	vst v0;
	v63 =	vmul.f32 v61, v58  }
0xee: {  	[tilespmem:s8+$0x0] =	vst v62;
	v1 =	vmul.f32 v1, v48;
	v3 =	vsub.f32 $1.500000000e+00, v3  }
0xef: {  	v2 =	vmul.f32 v2, v7;
	[tilespmem:s8+$0xFFFFFFF0] =	vst v63  }
0xf0: {  	[tilespmem:s8+$0x20] =	vst v1;
	v60 =	vmul.f32 v3, v10  }
0xf1: {  	[tilespmem:s8+$0x10] =	vst v2  }
0xf2: {  	s26 =	simm.s32 $0xC800;
	s28 =	simm.s32 $0x1;
	[tilespmem:s8+$0xFFFFFFD0] =	vst v60  }
0xf3: {  	[spmem:s5] =	stream.linear.scatter [tilespmem:s26], [sflag:$0x1], $0x280, $0x38;
	[tilespmem:$0xD200] =	vst v63  }
0xf4: {  	_ =	swait.ge [sflag:s28], $0x280  }
0xf5: {  	[sflag:s28] =	ssyncset.done $0x0  }
0xf6: {  	[sflag:s28] =	ssyncadd.s32 $0xFFFFFD80  }
0xf7: {  	[bflag:$0x0] =	sbarrier.arrive $0xFFFF  }
0xf8: {  	s29 =	simm.s32 $0x2800;
	(ifvalue) =	ssetifvalue $0xFFFFFFFF  }
0xf9: {  	s9 =	simm.s32 $0x7800;
	s10 =	simm.s32 $0xA000;
	(ifvalue) =	ssetifvalue $0xFFFFFFFF  }
0xfa: {  	[tilespmem:s10], [sflag:$0x1] =	stream.indirect.gather [spmem:s3], $0x1, s9, s29, $0x40b8;
	[tilespmem:$0xD200] =	vst v63  }
0xfb: {  	_ =	swait.ge [sflag:s28], $0x2800  }
0xfc: {  	[sflag:s28] =	ssyncset.done $0x0  }
0xfd: {  	s30 =	simm.s32 $0x5000;
	[sflag:s28] =	ssyncadd.s32 $0xFFFFD800;
	(ifvalue) =	ssetifvalue $0xFFFFFFFF  }
0xfe: {  	[spmem:s2] =	stream.indirect.scatter.add.f32 [tilespmem:s10], [sflag:$0x1], $0x1, s30, s29, $0x40b8;
	[tilespmem:$0xD200] =	vst v63  }
0xff: {  	_ =	swait.ge [sflag:s28], $0x2800  }
0x100: {  	[sflag:s28] =	ssyncset.done $0x0  }
0x101: {  	[sflag:s28] =	ssyncadd.s32 $0xFFFFD800  }
0x102: {  	s31 =	sshrl.u32 s4, $0x3;
	[bflag:$0x0] =	sbarrier.arrive $0xFFFF  }
0x103: {  	[hbm:s6], [sflag:s7] =	dma.local [spmem:s31], $0x50  }
0x104: {  	_ =	swait.ge [sflag:s28], $0x50  }
0x105: {  	[sflag:s28] =	ssyncset.done $0x0  }
0x106: {  	[sflag:s28] =	ssyncadd.s32 $0xFFFFFFB0  }
0x107: {  	_ =	sfence.sel $0x180000  }
0x108: {  	[bflag:$0x0] =	sbarrier.arrive $0xFFFF  }
0x109: {  	p0 =	sne.s32 s1, $0x0;
	_ =	strace $0x90000047  }
0x10a: {  	s0 =	sadd.s32 @!p0 $0x100000, s0;
	[bflag:$0x2] =	sbarrier.arrive $0xFFFF  }
0x10b: {  	[sflag:s0] =	ssyncadd.tile.s32 @!p0 $0x1;
	_ =	shalt  }
.Lfunc_end2:
_tile_overlayer_lowered:
.L_overlay_start_2:
0x10c: {  	(tag) =	ssettag $0x2  }
0x10d: {  	s0 =	rddreg [dreg:$0x0];
	s2 =	stileid.u32  }
0x10e: {  	s1 =	rddreg [dreg:$0x1];
	p0 =	sne.s32 s2, $0x0  }
0x10f: {  	s3 =	rddreg [dreg:$0x2];
	[bflag:$0x3] =	sbarrier.arrive $0xFFFF;
	s2 =	simm.s32 @!p0 $0x1C01  }
0x110: {  	[timem:s3], [sflag:s2] =	dma.local @!p0 [hbm:s0], s1  }
0x111: {  	s0 =	simm.s32 @!p0 $0x1  }
0x112: {  	_ =	swait.ge @!p0 [sflag:s0], s1  }
0x113: {  	s1 =	ssub.s32 @!p0 $0x0, s1;
	[sflag:s0] =	ssyncset.done @!p0 $0x0  }
0x114: {  	[sflag:s0] =	ssyncadd.s32 @!p0 s1  }
0x115: {  	[bflag:$0x3] =	sbarrier.arrive $0xFFFF  }
0x116: {  	_ =	shalt  }

</sc_bundles>
